<compile_context>
chip_gen: v7x
topology: tpu7x:2x2x1
jax: 0.10.2.dev20260603
libtpu: 0.0.44.dev20260713+nightly
codegen_flags: <defaults>
</compile_context>

<pallas_src>
import functools

import jax
import jax.numpy as jnp
from jax import lax
from jax.experimental import pallas as pl
from jax.experimental.pallas import tpu as pltpu
from jax.experimental.pallas import tpu_sc as plsc

_NUM_CORES = 2
_NUM_SUBCORES = 16
_NUM_WORKERS = _NUM_CORES * _NUM_SUBCORES

_LANES = 16
_UNROLL = 16


def _build_gather(D, V, B, dtype):
    mesh = plsc.VectorSubcoreMesh(core_axis_name="c", subcore_axis_name="s")
    n_full_rounds = D // _NUM_WORKERS
    rem_dims = D - n_full_rounds * _NUM_WORKERS

    blk_sz = 4096
    n_blocks = B // blk_sz

    @functools.partial(
        pl.kernel,
        out_type=jax.ShapeDtypeStruct((D, B), dtype),
        mesh=mesh,
        compiler_params=pltpu.CompilerParams(needs_layout_passes=False),
        scratch_types=[
            pltpu.VMEM((V,), dtype),
            pltpu.VMEM((B,), jnp.int32),
            pltpu.VMEM((blk_sz,), dtype),
            pltpu.VMEM((blk_sz,), dtype),
            pltpu.SemaphoreType.DMA,
            pltpu.SemaphoreType.DMA,
        ],
    )
    def gather(
        tableT_hbm, idx_hbm, outT_hbm, row_v, idx_v, out_a, out_b, sem_o, sem_r
    ):
        wid = lax.axis_index("s") * _NUM_CORES + lax.axis_index("c")
        pltpu.async_copy(idx_hbm, idx_v, sem_r)
        pltpu.async_copy(tableT_hbm.at[wid], row_v, sem_r)
        pltpu.make_async_copy(idx_hbm, idx_v, sem_r).wait()
        pltpu.make_async_copy(tableT_hbm.at[wid], row_v, sem_r).wait()
        for k in range(n_full_rounds):
            d = wid + _NUM_WORKERS * k
            if True:
                for blk in range(n_blocks):
                    buf = out_a if blk % 2 == 0 else out_b
                    if blk >= 2:
                        pltpu.make_async_copy(
                            buf,
                            outT_hbm.at[d, pl.ds((blk - 2) * blk_sz, blk_sz)],
                            sem_o,
                        ).wait()

                    @plsc.parallel_loop(
                        0, blk_sz, step=_LANES, unroll=_UNROLL
                    )
                    def sweep(o, blk=blk, buf=buf):
                        ids = idx_v[pl.ds(blk * blk_sz + o, _LANES)]
                        buf[pl.ds(o, _LANES)] = plsc.load_gather(
                            row_v, [ids]
                        )
                    pltpu.async_copy(
                        buf,
                        outT_hbm.at[d, pl.ds(blk * blk_sz, blk_sz)],
                        sem_o,
                    )
                if k + 1 < n_full_rounds:
                    pltpu.async_copy(
                        tableT_hbm.at[wid + _NUM_WORKERS * (k + 1)],
                        row_v,
                        sem_r,
                    )
                elif rem_dims:
                    @pl.when(wid < rem_dims)
                    def _prefetch_rem():
                        pltpu.async_copy(
                            tableT_hbm.at[wid + _NUM_WORKERS * k + _NUM_WORKERS],
                            row_v,
                            sem_r,
                        )

                for blk in (n_blocks - 2, n_blocks - 1):
                    pltpu.make_async_copy(
                        out_a if blk % 2 == 0 else out_b,
                        outT_hbm.at[d, pl.ds(blk * blk_sz, blk_sz)],
                        sem_o,
                    ).wait()
                if k + 1 < n_full_rounds:
                    pltpu.make_async_copy(
                        tableT_hbm.at[wid + _NUM_WORKERS * (k + 1)],
                        row_v,
                        sem_r,
                    ).wait()

        if rem_dims:
            @pl.when(wid < rem_dims)
            def _rem_round():
                d = wid + _NUM_WORKERS * n_full_rounds
                pltpu.make_async_copy(tableT_hbm.at[d], row_v, sem_r).wait()
                for blk in range(n_blocks):
                    buf = out_a if blk % 2 == 0 else out_b
                    if blk >= 2:
                        pltpu.make_async_copy(
                            buf,
                            outT_hbm.at[d, pl.ds((blk - 2) * blk_sz, blk_sz)],
                            sem_o,
                        ).wait()

                    @plsc.parallel_loop(
                        0, blk_sz, step=_LANES, unroll=_UNROLL
                    )
                    def sweep_rem(o, blk=blk, buf=buf):
                        ids = idx_v[pl.ds(blk * blk_sz + o, _LANES)]
                        buf[pl.ds(o, _LANES)] = plsc.load_gather(
                            row_v, [ids]
                        )
                    pltpu.async_copy(
                        buf,
                        outT_hbm.at[d, pl.ds(blk * blk_sz, blk_sz)],
                        sem_o,
                    )
                for blk in (n_blocks - 2, n_blocks - 1):
                    pltpu.make_async_copy(
                        out_a if blk % 2 == 0 else out_b,
                        outT_hbm.at[d, pl.ds(blk * blk_sz, blk_sz)],
                        sem_o,
                    ).wait()

    return gather


def kernel(embeddings, indices):
    (B,) = indices.shape
    V, D = embeddings.shape
    gather = _build_gather(D, V, B, embeddings.dtype)
    outT = gather(embeddings.T, indices.astype(jnp.int32))
    return outT.T

# --- scband reference (transcript-rebuilt; emitter-appended) ---
"""Pipeline reference for scband-embedding-agent-67010079752724 (READ-ONLY COPY).

The authoritative reference and input builder live on the scoring server;
editing this copy changes nothing except your own understanding.
"""

import jax, jax.numpy as jnp
import numpy as np

VOCAB = 100000  # filtered wordnet-nouns-in-GloVe vocab, production-scale stand-in
DIM = 100       # GloVe 6B.100d embedding dimension
BATCH = 16384   # batched word lookups

def setup_inputs(seed: int = 0) -> dict:
    key = jax.random.key(seed)
    k1, k2 = jax.random.split(key)
    # learned/loaded parameter: GloVe table with trailing UNK row (index VOCAB == -1 row)
    embeddings = jax.random.normal(k1, (VOCAB + 1, DIM), dtype=jnp.float32)
    # word indices resolved via word_index_dict; out-of-vocab maps to last row,
    # here we sample in-vocab indices in [0, VOCAB)
    indices = jax.random.randint(k2, (BATCH,), 0, VOCAB, dtype=jnp.int64)
    return {"embeddings": embeddings, "indices": indices}

def reference(embeddings, indices):
    # EmbeddingAgent.embedder: self.embeddings[self.word_index_dict.get(word, -1)]
    # batched form: pure gather over the embedding table rows
    return jnp.take(embeddings, indices, axis=0)

if __name__ == "__main__":
    import jax
    _d = setup_inputs()
    print(jax.jit(kernel)(*tuple(_d.values())))

</pallas_src>

<mosaic_0001>
#map = affine_map<(d0, d1) -> (0, 0)>
#map1 = affine_map<(d0, d1) -> (0)>
module attributes {stable_mosaic.version = 14 : i64} {
  func.func @gather(%arg0: i32, %arg1: i32, %arg2: memref<100x100001xf32, #tpu.memory_space<hbm>>, %arg3: memref<16384xi32, #tpu.memory_space<hbm>>, %arg4: memref<100x16384xf32, #tpu.memory_space<hbm>>, %arg5: memref<100001xf32, #tpu.memory_space<vmem>>, %arg6: memref<16384xi32, #tpu.memory_space<vmem>>, %arg7: memref<4096xf32, #tpu.memory_space<vmem>>, %arg8: memref<4096xf32, #tpu.memory_space<vmem>>, %arg9: memref<!tpu.dma_semaphore, #tpu.memory_space<semaphore_mem>>, %arg10: memref<!tpu.dma_semaphore, #tpu.memory_space<semaphore_mem>>) attributes {dimension_semantics = [#tpu.dimension_semantics<core_parallel>, #tpu.dimension_semantics<subcore_parallel>], iteration_bounds = array<i64: 2, 16>, scalar_prefetch = 0 : i64, scratch_operands = 6 : i64, tpu.core_type = #tpu.core_type<sc_vector_subcore>, window_params = [{transform_indices = #map}, {transform_indices = #map1}, {transform_indices = #map}]} {
    %mul3A = arith.constant 2 : i32
    %mul3A_0 = arith.muli %arg1, %mul3A : i32
    %add3A = arith.addi %mul3A_0, %arg0 : i32
    tpu.enqueue_dma source(%arg3 : memref<16384xi32, #tpu.memory_space<hbm>>) target(%arg6 : memref<16384xi32, #tpu.memory_space<vmem>>) target_semaphore(%arg10 : memref<!tpu.dma_semaphore, #tpu.memory_space<semaphore_mem>>)
    %dma_start3A = arith.constant 0 : i32
    %dma_start3A_1 = tpu.memref_slice %arg2[%add3A, %dma_start3A] : memref<100x100001xf32, #tpu.memory_space<hbm>> -> memref<1x100001xf32, #tpu.memory_space<hbm>>
    %dma_start3A_2 = tpu.memref_squeeze %dma_start3A_1 : memref<1x100001xf32, #tpu.memory_space<hbm>> -> memref<100001xf32, #tpu.memory_space<hbm>>
    %dma_start3A_3 = arith.constant 0 : i32
    %dma_start3A_4 = tpu.memref_slice %arg2[%add3A, %dma_start3A_3] : memref<100x100001xf32, #tpu.memory_space<hbm>> -> memref<1x100001xf32, #tpu.memory_space<hbm>>
    %dma_start3A_5 = tpu.memref_squeeze %dma_start3A_4 : memref<1x100001xf32, #tpu.memory_space<hbm>> -> memref<100001xf32, #tpu.memory_space<hbm>>
    tpu.enqueue_dma source(%dma_start3A_5 : memref<100001xf32, #tpu.memory_space<hbm>>) target(%arg5 : memref<100001xf32, #tpu.memory_space<vmem>>) target_semaphore(%arg10 : memref<!tpu.dma_semaphore, #tpu.memory_space<semaphore_mem>>)
    tpu.wait_dma2 semaphore(%arg10 : memref<!tpu.dma_semaphore, #tpu.memory_space<semaphore_mem>>) src(%arg3 : memref<16384xi32, #tpu.memory_space<hbm>>) dst(%arg6 : memref<16384xi32, #tpu.memory_space<vmem>>)
    %dma_wait3A = arith.constant 0 : i32
    %dma_wait3A_6 = tpu.memref_slice %arg2[%add3A, %dma_wait3A] : memref<100x100001xf32, #tpu.memory_space<hbm>> -> memref<1x100001xf32, #tpu.memory_space<hbm>>
    %dma_wait3A_7 = tpu.memref_squeeze %dma_wait3A_6 : memref<1x100001xf32, #tpu.memory_space<hbm>> -> memref<100001xf32, #tpu.memory_space<hbm>>
    %dma_wait3A_8 = arith.constant 0 : i32
    %dma_wait3A_9 = tpu.memref_slice %arg2[%add3A, %dma_wait3A_8] : memref<100x100001xf32, #tpu.memory_space<hbm>> -> memref<1x100001xf32, #tpu.memory_space<hbm>>
    %dma_wait3A_10 = tpu.memref_squeeze %dma_wait3A_9 : memref<1x100001xf32, #tpu.memory_space<hbm>> -> memref<100001xf32, #tpu.memory_space<hbm>>
    tpu.wait_dma2 semaphore(%arg10 : memref<!tpu.dma_semaphore, #tpu.memory_space<semaphore_mem>>) src(%dma_wait3A_10 : memref<100001xf32, #tpu.memory_space<hbm>>) dst(%arg5 : memref<100001xf32, #tpu.memory_space<vmem>>)
    %add3A_11 = arith.constant 0 : i32
    %add3A_12 = arith.addi %add3A, %add3A_11 : i32
    %parallel_loop3A = arith.constant 0 : i32
    %parallel_loop3A_13 = arith.constant 4096 : i32
    %parallel_loop3A_14 = arith.constant 16 : i32
    scf.for %parallel_loop3A_235 = %parallel_loop3A to %parallel_loop3A_13 step %parallel_loop3A_14  : i32 {
      %parallel_loop3A_236 = arith.constant 0 : i32
      %parallel_loop3A_237 = arith.addi %parallel_loop3A_236, %parallel_loop3A_235 : i32
      %parallel_loop3A_238 = arith.index_cast %parallel_loop3A_237 : i32 to index
      %parallel_loop3A_239 = tpu.vector_load %arg6[%parallel_loop3A_238] {strides = array<i32>} : memref<16384xi32, #tpu.memory_space<vmem>>, vector<16xi32>,
      %parallel_loop3A_240 = tpu.vector_load_idx %arg5[%parallel_loop3A_239] : memref<100001xf32, #tpu.memory_space<vmem>>[vector<16xi32>], vector<16xf32>,
      %parallel_loop3A_241 = arith.index_cast %parallel_loop3A_235 : i32 to index
      %parallel_loop3A_242 = tpu.vector_load %arg7[%parallel_loop3A_241] {strides = array<i32>} : memref<4096xf32, #tpu.memory_space<vmem>>, vector<16xf32>,
      tpu.vector_store %arg7[%parallel_loop3A_241], %parallel_loop3A_240 {strides = array<i32>} : memref<4096xf32, #tpu.memory_space<vmem>>, vector<16xf32>,
    } {sc.loop_unroll_factor = 16 : i64, sc.parallel_access}
    %dma_start3A_15 = arith.constant 0 : i32
    %dma_start3A_16 = tpu.memref_slice %arg4[%add3A_12, %dma_start3A_15] : memref<100x16384xf32, #tpu.memory_space<hbm>> -> memref<1x4096xf32, #tpu.memory_space<hbm>>
    %dma_start3A_17 = tpu.memref_squeeze %dma_start3A_16 : memref<1x4096xf32, #tpu.memory_space<hbm>> -> memref<4096xf32, #tpu.memory_space<hbm>>
    %dma_start3A_18 = arith.constant 0 : i32
    %dma_start3A_19 = tpu.memref_slice %arg4[%add3A_12, %dma_start3A_18] : memref<100x16384xf32, #tpu.memory_space<hbm>> -> memref<1x4096xf32, #tpu.memory_space<hbm>>
    %dma_start3A_20 = tpu.memref_squeeze %dma_start3A_19 : memref<1x4096xf32, #tpu.memory_space<hbm>> -> memref<4096xf32, #tpu.memory_space<hbm>>
    tpu.enqueue_dma source(%arg7 : memref<4096xf32, #tpu.memory_space<vmem>>) target(%dma_start3A_20 : memref<4096xf32, #tpu.memory_space<hbm>>) target_semaphore(%arg9 : memref<!tpu.dma_semaphore, #tpu.memory_space<semaphore_mem>>)
    %parallel_loop3A_21 = arith.constant 0 : i32
    %parallel_loop3A_22 = arith.constant 4096 : i32
    %parallel_loop3A_23 = arith.constant 16 : i32
    scf.for %parallel_loop3A_235 = %parallel_loop3A_21 to %parallel_loop3A_22 step %parallel_loop3A_23  : i32 {
      %parallel_loop3A_236 = arith.constant 4096 : i32
      %parallel_loop3A_237 = arith.addi %parallel_loop3A_236, %parallel_loop3A_235 : i32
      %parallel_loop3A_238 = arith.index_cast %parallel_loop3A_237 : i32 to index
      %parallel_loop3A_239 = tpu.vector_load %arg6[%parallel_loop3A_238] {strides = array<i32>} : memref<16384xi32, #tpu.memory_space<vmem>>, vector<16xi32>,
      %parallel_loop3A_240 = tpu.vector_load_idx %arg5[%parallel_loop3A_239] : memref<100001xf32, #tpu.memory_space<vmem>>[vector<16xi32>], vector<16xf32>,
      %parallel_loop3A_241 = arith.index_cast %parallel_loop3A_235 : i32 to index
      %parallel_loop3A_242 = tpu.vector_load %arg8[%parallel_loop3A_241] {strides = array<i32>} : memref<4096xf32, #tpu.memory_space<vmem>>, vector<16xf32>,
      tpu.vector_store %arg8[%parallel_loop3A_241], %parallel_loop3A_240 {strides = array<i32>} : memref<4096xf32, #tpu.memory_space<vmem>>, vector<16xf32>,
    } {sc.loop_unroll_factor = 16 : i64, sc.parallel_access}
    %dma_start3A_24 = arith.constant 4096 : i32
    %dma_start3A_25 = tpu.memref_slice %arg4[%add3A_12, %dma_start3A_24] : memref<100x16384xf32, #tpu.memory_space<hbm>> -> memref<1x4096xf32, #tpu.memory_space<hbm>>
    %dma_start3A_26 = tpu.memref_squeeze %dma_start3A_25 : memref<1x4096xf32, #tpu.memory_space<hbm>> -> memref<4096xf32, #tpu.memory_space<hbm>>
    %dma_start3A_27 = arith.constant 4096 : i32
    %dma_start3A_28 = tpu.memref_slice %arg4[%add3A_12, %dma_start3A_27] : memref<100x16384xf32, #tpu.memory_space<hbm>> -> memref<1x4096xf32, #tpu.memory_space<hbm>>
    %dma_start3A_29 = tpu.memref_squeeze %dma_start3A_28 : memref<1x4096xf32, #tpu.memory_space<hbm>> -> memref<4096xf32, #tpu.memory_space<hbm>>
    tpu.enqueue_dma source(%arg8 : memref<4096xf32, #tpu.memory_space<vmem>>) target(%dma_start3A_29 : memref<4096xf32, #tpu.memory_space<hbm>>) target_semaphore(%arg9 : memref<!tpu.dma_semaphore, #tpu.memory_space<semaphore_mem>>)
    %dma_wait3A_30 = arith.constant 0 : i32
    %dma_wait3A_31 = tpu.memref_slice %arg4[%add3A_12, %dma_wait3A_30] : memref<100x16384xf32, #tpu.memory_space<hbm>> -> memref<1x4096xf32, #tpu.memory_space<hbm>>
    %dma_wait3A_32 = tpu.memref_squeeze %dma_wait3A_31 : memref<1x4096xf32, #tpu.memory_space<hbm>> -> memref<4096xf32, #tpu.memory_space<hbm>>
    %dma_wait3A_33 = arith.constant 0 : i32
    %dma_wait3A_34 = tpu.memref_slice %arg4[%add3A_12, %dma_wait3A_33] : memref<100x16384xf32, #tpu.memory_space<hbm>> -> memref<1x4096xf32, #tpu.memory_space<hbm>>
    %dma_wait3A_35 = tpu.memref_squeeze %dma_wait3A_34 : memref<1x4096xf32, #tpu.memory_space<hbm>> -> memref<4096xf32, #tpu.memory_space<hbm>>
    tpu.wait_dma2 semaphore(%arg9 : memref<!tpu.dma_semaphore, #tpu.memory_space<semaphore_mem>>) src(%arg7 : memref<4096xf32, #tpu.memory_space<vmem>>) dst(%dma_wait3A_35 : memref<4096xf32, #tpu.memory_space<hbm>>)
    %parallel_loop3A_36 = arith.constant 0 : i32
    %parallel_loop3A_37 = arith.constant 4096 : i32
    %parallel_loop3A_38 = arith.constant 16 : i32
    scf.for %parallel_loop3A_235 = %parallel_loop3A_36 to %parallel_loop3A_37 step %parallel_loop3A_38  : i32 {
      %parallel_loop3A_236 = arith.constant 8192 : i32
      %parallel_loop3A_237 = arith.addi %parallel_loop3A_236, %parallel_loop3A_235 : i32
      %parallel_loop3A_238 = arith.index_cast %parallel_loop3A_237 : i32 to index
      %parallel_loop3A_239 = tpu.vector_load %arg6[%parallel_loop3A_238] {strides = array<i32>} : memref<16384xi32, #tpu.memory_space<vmem>>, vector<16xi32>,
      %parallel_loop3A_240 = tpu.vector_load_idx %arg5[%parallel_loop3A_239] : memref<100001xf32, #tpu.memory_space<vmem>>[vector<16xi32>], vector<16xf32>,
      %parallel_loop3A_241 = arith.index_cast %parallel_loop3A_235 : i32 to index
      %parallel_loop3A_242 = tpu.vector_load %arg7[%parallel_loop3A_241] {strides = array<i32>} : memref<4096xf32, #tpu.memory_space<vmem>>, vector<16xf32>,
      tpu.vector_store %arg7[%parallel_loop3A_241], %parallel_loop3A_240 {strides = array<i32>} : memref<4096xf32, #tpu.memory_space<vmem>>, vector<16xf32>,
    } {sc.loop_unroll_factor = 16 : i64, sc.parallel_access}
    %dma_start3A_39 = arith.constant 8192 : i32
    %dma_start3A_40 = tpu.memref_slice %arg4[%add3A_12, %dma_start3A_39] : memref<100x16384xf32, #tpu.memory_space<hbm>> -> memref<1x4096xf32, #tpu.memory_space<hbm>>
    %dma_start3A_41 = tpu.memref_squeeze %dma_start3A_40 : memref<1x4096xf32, #tpu.memory_space<hbm>> -> memref<4096xf32, #tpu.memory_space<hbm>>
    %dma_start3A_42 = arith.constant 8192 : i32
    %dma_start3A_43 = tpu.memref_slice %arg4[%add3A_12, %dma_start3A_42] : memref<100x16384xf32, #tpu.memory_space<hbm>> -> memref<1x4096xf32, #tpu.memory_space<hbm>>
    %dma_start3A_44 = tpu.memref_squeeze %dma_start3A_43 : memref<1x4096xf32, #tpu.memory_space<hbm>> -> memref<4096xf32, #tpu.memory_space<hbm>>
    tpu.enqueue_dma source(%arg7 : memref<4096xf32, #tpu.memory_space<vmem>>) target(%dma_start3A_44 : memref<4096xf32, #tpu.memory_space<hbm>>) target_semaphore(%arg9 : memref<!tpu.dma_semaphore, #tpu.memory_space<semaphore_mem>>)
    %dma_wait3A_45 = arith.constant 4096 : i32
    %dma_wait3A_46 = tpu.memref_slice %arg4[%add3A_12, %dma_wait3A_45] : memref<100x16384xf32, #tpu.memory_space<hbm>> -> memref<1x4096xf32, #tpu.memory_space<hbm>>
    %dma_wait3A_47 = tpu.memref_squeeze %dma_wait3A_46 : memref<1x4096xf32, #tpu.memory_space<hbm>> -> memref<4096xf32, #tpu.memory_space<hbm>>
    %dma_wait3A_48 = arith.constant 4096 : i32
    %dma_wait3A_49 = tpu.memref_slice %arg4[%add3A_12, %dma_wait3A_48] : memref<100x16384xf32, #tpu.memory_space<hbm>> -> memref<1x4096xf32, #tpu.memory_space<hbm>>
    %dma_wait3A_50 = tpu.memref_squeeze %dma_wait3A_49 : memref<1x4096xf32, #tpu.memory_space<hbm>> -> memref<4096xf32, #tpu.memory_space<hbm>>
    tpu.wait_dma2 semaphore(%arg9 : memref<!tpu.dma_semaphore, #tpu.memory_space<semaphore_mem>>) src(%arg8 : memref<4096xf32, #tpu.memory_space<vmem>>) dst(%dma_wait3A_50 : memref<4096xf32, #tpu.memory_space<hbm>>)
    %parallel_loop3A_51 = arith.constant 0 : i32
    %parallel_loop3A_52 = arith.constant 4096 : i32
    %parallel_loop3A_53 = arith.constant 16 : i32
    scf.for %parallel_loop3A_235 = %parallel_loop3A_51 to %parallel_loop3A_52 step %parallel_loop3A_53  : i32 {
      %parallel_loop3A_236 = arith.constant 12288 : i32
      %parallel_loop3A_237 = arith.addi %parallel_loop3A_236, %parallel_loop3A_235 : i32
      %parallel_loop3A_238 = arith.index_cast %parallel_loop3A_237 : i32 to index
      %parallel_loop3A_239 = tpu.vector_load %arg6[%parallel_loop3A_238] {strides = array<i32>} : memref<16384xi32, #tpu.memory_space<vmem>>, vector<16xi32>,
      %parallel_loop3A_240 = tpu.vector_load_idx %arg5[%parallel_loop3A_239] : memref<100001xf32, #tpu.memory_space<vmem>>[vector<16xi32>], vector<16xf32>,
      %parallel_loop3A_241 = arith.index_cast %parallel_loop3A_235 : i32 to index
      %parallel_loop3A_242 = tpu.vector_load %arg8[%parallel_loop3A_241] {strides = array<i32>} : memref<4096xf32, #tpu.memory_space<vmem>>, vector<16xf32>,
      tpu.vector_store %arg8[%parallel_loop3A_241], %parallel_loop3A_240 {strides = array<i32>} : memref<4096xf32, #tpu.memory_space<vmem>>, vector<16xf32>,
    } {sc.loop_unroll_factor = 16 : i64, sc.parallel_access}
    %dma_start3A_54 = arith.constant 12288 : i32
    %dma_start3A_55 = tpu.memref_slice %arg4[%add3A_12, %dma_start3A_54] : memref<100x16384xf32, #tpu.memory_space<hbm>> -> memref<1x4096xf32, #tpu.memory_space<hbm>>
    %dma_start3A_56 = tpu.memref_squeeze %dma_start3A_55 : memref<1x4096xf32, #tpu.memory_space<hbm>> -> memref<4096xf32, #tpu.memory_space<hbm>>
    %dma_start3A_57 = arith.constant 12288 : i32
    %dma_start3A_58 = tpu.memref_slice %arg4[%add3A_12, %dma_start3A_57] : memref<100x16384xf32, #tpu.memory_space<hbm>> -> memref<1x4096xf32, #tpu.memory_space<hbm>>
    %dma_start3A_59 = tpu.memref_squeeze %dma_start3A_58 : memref<1x4096xf32, #tpu.memory_space<hbm>> -> memref<4096xf32, #tpu.memory_space<hbm>>
    tpu.enqueue_dma source(%arg8 : memref<4096xf32, #tpu.memory_space<vmem>>) target(%dma_start3A_59 : memref<4096xf32, #tpu.memory_space<hbm>>) target_semaphore(%arg9 : memref<!tpu.dma_semaphore, #tpu.memory_space<semaphore_mem>>)
    %add3A_60 = arith.constant 32 : i32
    %add3A_61 = arith.addi %add3A, %add3A_60 : i32
    %dma_start3A_62 = arith.constant 0 : i32
    %dma_start3A_63 = tpu.memref_slice %arg2[%add3A_61, %dma_start3A_62] : memref<100x100001xf32, #tpu.memory_space<hbm>> -> memref<1x100001xf32, #tpu.memory_space<hbm>>
    %dma_start3A_64 = tpu.memref_squeeze %dma_start3A_63 : memref<1x100001xf32, #tpu.memory_space<hbm>> -> memref<100001xf32, #tpu.memory_space<hbm>>
    %dma_start3A_65 = arith.constant 0 : i32
    %dma_start3A_66 = tpu.memref_slice %arg2[%add3A_61, %dma_start3A_65] : memref<100x100001xf32, #tpu.memory_space<hbm>> -> memref<1x100001xf32, #tpu.memory_space<hbm>>
    %dma_start3A_67 = tpu.memref_squeeze %dma_start3A_66 : memref<1x100001xf32, #tpu.memory_space<hbm>> -> memref<100001xf32, #tpu.memory_space<hbm>>
    tpu.enqueue_dma source(%dma_start3A_67 : memref<100001xf32, #tpu.memory_space<hbm>>) target(%arg5 : memref<100001xf32, #tpu.memory_space<vmem>>) target_semaphore(%arg10 : memref<!tpu.dma_semaphore, #tpu.memory_space<semaphore_mem>>)
    %dma_wait3A_68 = arith.constant 8192 : i32
    %dma_wait3A_69 = tpu.memref_slice %arg4[%add3A_12, %dma_wait3A_68] : memref<100x16384xf32, #tpu.memory_space<hbm>> -> memref<1x4096xf32, #tpu.memory_space<hbm>>
    %dma_wait3A_70 = tpu.memref_squeeze %dma_wait3A_69 : memref<1x4096xf32, #tpu.memory_space<hbm>> -> memref<4096xf32, #tpu.memory_space<hbm>>
    %dma_wait3A_71 = arith.constant 8192 : i32
    %dma_wait3A_72 = tpu.memref_slice %arg4[%add3A_12, %dma_wait3A_71] : memref<100x16384xf32, #tpu.memory_space<hbm>> -> memref<1x4096xf32, #tpu.memory_space<hbm>>
    %dma_wait3A_73 = tpu.memref_squeeze %dma_wait3A_72 : memref<1x4096xf32, #tpu.memory_space<hbm>> -> memref<4096xf32, #tpu.memory_space<hbm>>
    tpu.wait_dma2 semaphore(%arg9 : memref<!tpu.dma_semaphore, #tpu.memory_space<semaphore_mem>>) src(%arg7 : memref<4096xf32, #tpu.memory_space<vmem>>) dst(%dma_wait3A_73 : memref<4096xf32, #tpu.memory_space<hbm>>)
    %dma_wait3A_74 = arith.constant 12288 : i32
    %dma_wait3A_75 = tpu.memref_slice %arg4[%add3A_12, %dma_wait3A_74] : memref<100x16384xf32, #tpu.memory_space<hbm>> -> memref<1x4096xf32, #tpu.memory_space<hbm>>
    %dma_wait3A_76 = tpu.memref_squeeze %dma_wait3A_75 : memref<1x4096xf32, #tpu.memory_space<hbm>> -> memref<4096xf32, #tpu.memory_space<hbm>>
    %dma_wait3A_77 = arith.constant 12288 : i32
    %dma_wait3A_78 = tpu.memref_slice %arg4[%add3A_12, %dma_wait3A_77] : memref<100x16384xf32, #tpu.memory_space<hbm>> -> memref<1x4096xf32, #tpu.memory_space<hbm>>
    %dma_wait3A_79 = tpu.memref_squeeze %dma_wait3A_78 : memref<1x4096xf32, #tpu.memory_space<hbm>> -> memref<4096xf32, #tpu.memory_space<hbm>>
    tpu.wait_dma2 semaphore(%arg9 : memref<!tpu.dma_semaphore, #tpu.memory_space<semaphore_mem>>) src(%arg8 : memref<4096xf32, #tpu.memory_space<vmem>>) dst(%dma_wait3A_79 : memref<4096xf32, #tpu.memory_space<hbm>>)
    %add3A_80 = arith.constant 32 : i32
    %add3A_81 = arith.addi %add3A, %add3A_80 : i32
    %dma_wait3A_82 = arith.constant 0 : i32
    %dma_wait3A_83 = tpu.memref_slice %arg2[%add3A_81, %dma_wait3A_82] : memref<100x100001xf32, #tpu.memory_space<hbm>> -> memref<1x100001xf32, #tpu.memory_space<hbm>>
    %dma_wait3A_84 = tpu.memref_squeeze %dma_wait3A_83 : memref<1x100001xf32, #tpu.memory_space<hbm>> -> memref<100001xf32, #tpu.memory_space<hbm>>
    %dma_wait3A_85 = arith.constant 0 : i32
    %dma_wait3A_86 = tpu.memref_slice %arg2[%add3A_81, %dma_wait3A_85] : memref<100x100001xf32, #tpu.memory_space<hbm>> -> memref<1x100001xf32, #tpu.memory_space<hbm>>
    %dma_wait3A_87 = tpu.memref_squeeze %dma_wait3A_86 : memref<1x100001xf32, #tpu.memory_space<hbm>> -> memref<100001xf32, #tpu.memory_space<hbm>>
    tpu.wait_dma2 semaphore(%arg10 : memref<!tpu.dma_semaphore, #tpu.memory_space<semaphore_mem>>) src(%dma_wait3A_87 : memref<100001xf32, #tpu.memory_space<hbm>>) dst(%arg5 : memref<100001xf32, #tpu.memory_space<vmem>>)
    %add3A_88 = arith.constant 32 : i32
    %add3A_89 = arith.addi %add3A, %add3A_88 : i32
    %parallel_loop3A_90 = arith.constant 0 : i32
    %parallel_loop3A_91 = arith.constant 4096 : i32
    %parallel_loop3A_92 = arith.constant 16 : i32
    scf.for %parallel_loop3A_235 = %parallel_loop3A_90 to %parallel_loop3A_91 step %parallel_loop3A_92  : i32 {
      %parallel_loop3A_236 = arith.constant 0 : i32
      %parallel_loop3A_237 = arith.addi %parallel_loop3A_236, %parallel_loop3A_235 : i32
      %parallel_loop3A_238 = arith.index_cast %parallel_loop3A_237 : i32 to index
      %parallel_loop3A_239 = tpu.vector_load %arg6[%parallel_loop3A_238] {strides = array<i32>} : memref<16384xi32, #tpu.memory_space<vmem>>, vector<16xi32>,
      %parallel_loop3A_240 = tpu.vector_load_idx %arg5[%parallel_loop3A_239] : memref<100001xf32, #tpu.memory_space<vmem>>[vector<16xi32>], vector<16xf32>,
      %parallel_loop3A_241 = arith.index_cast %parallel_loop3A_235 : i32 to index
      %parallel_loop3A_242 = tpu.vector_load %arg7[%parallel_loop3A_241] {strides = array<i32>} : memref<4096xf32, #tpu.memory_space<vmem>>, vector<16xf32>,
      tpu.vector_store %arg7[%parallel_loop3A_241], %parallel_loop3A_240 {strides = array<i32>} : memref<4096xf32, #tpu.memory_space<vmem>>, vector<16xf32>,
    } {sc.loop_unroll_factor = 16 : i64, sc.parallel_access}
    %dma_start3A_93 = arith.constant 0 : i32
    %dma_start3A_94 = tpu.memref_slice %arg4[%add3A_89, %dma_start3A_93] : memref<100x16384xf32, #tpu.memory_space<hbm>> -> memref<1x4096xf32, #tpu.memory_space<hbm>>
    %dma_start3A_95 = tpu.memref_squeeze %dma_start3A_94 : memref<1x4096xf32, #tpu.memory_space<hbm>> -> memref<4096xf32, #tpu.memory_space<hbm>>
    %dma_start3A_96 = arith.constant 0 : i32
    %dma_start3A_97 = tpu.memref_slice %arg4[%add3A_89, %dma_start3A_96] : memref<100x16384xf32, #tpu.memory_space<hbm>> -> memref<1x4096xf32, #tpu.memory_space<hbm>>
    %dma_start3A_98 = tpu.memref_squeeze %dma_start3A_97 : memref<1x4096xf32, #tpu.memory_space<hbm>> -> memref<4096xf32, #tpu.memory_space<hbm>>
    tpu.enqueue_dma source(%arg7 : memref<4096xf32, #tpu.memory_space<vmem>>) target(%dma_start3A_98 : memref<4096xf32, #tpu.memory_space<hbm>>) target_semaphore(%arg9 : memref<!tpu.dma_semaphore, #tpu.memory_space<semaphore_mem>>)
    %parallel_loop3A_99 = arith.constant 0 : i32
    %parallel_loop3A_100 = arith.constant 4096 : i32
    %parallel_loop3A_101 = arith.constant 16 : i32
    scf.for %parallel_loop3A_235 = %parallel_loop3A_99 to %parallel_loop3A_100 step %parallel_loop3A_101  : i32 {
      %parallel_loop3A_236 = arith.constant 4096 : i32
      %parallel_loop3A_237 = arith.addi %parallel_loop3A_236, %parallel_loop3A_235 : i32
      %parallel_loop3A_238 = arith.index_cast %parallel_loop3A_237 : i32 to index
      %parallel_loop3A_239 = tpu.vector_load %arg6[%parallel_loop3A_238] {strides = array<i32>} : memref<16384xi32, #tpu.memory_space<vmem>>, vector<16xi32>,
      %parallel_loop3A_240 = tpu.vector_load_idx %arg5[%parallel_loop3A_239] : memref<100001xf32, #tpu.memory_space<vmem>>[vector<16xi32>], vector<16xf32>,
      %parallel_loop3A_241 = arith.index_cast %parallel_loop3A_235 : i32 to index
      %parallel_loop3A_242 = tpu.vector_load %arg8[%parallel_loop3A_241] {strides = array<i32>} : memref<4096xf32, #tpu.memory_space<vmem>>, vector<16xf32>,
      tpu.vector_store %arg8[%parallel_loop3A_241], %parallel_loop3A_240 {strides = array<i32>} : memref<4096xf32, #tpu.memory_space<vmem>>, vector<16xf32>,
    } {sc.loop_unroll_factor = 16 : i64, sc.parallel_access}
    %dma_start3A_102 = arith.constant 4096 : i32
    %dma_start3A_103 = tpu.memref_slice %arg4[%add3A_89, %dma_start3A_102] : memref<100x16384xf32, #tpu.memory_space<hbm>> -> memref<1x4096xf32, #tpu.memory_space<hbm>>
    %dma_start3A_104 = tpu.memref_squeeze %dma_start3A_103 : memref<1x4096xf32, #tpu.memory_space<hbm>> -> memref<4096xf32, #tpu.memory_space<hbm>>
    %dma_start3A_105 = arith.constant 4096 : i32
    %dma_start3A_106 = tpu.memref_slice %arg4[%add3A_89, %dma_start3A_105] : memref<100x16384xf32, #tpu.memory_space<hbm>> -> memref<1x4096xf32, #tpu.memory_space<hbm>>
    %dma_start3A_107 = tpu.memref_squeeze %dma_start3A_106 : memref<1x4096xf32, #tpu.memory_space<hbm>> -> memref<4096xf32, #tpu.memory_space<hbm>>
    tpu.enqueue_dma source(%arg8 : memref<4096xf32, #tpu.memory_space<vmem>>) target(%dma_start3A_107 : memref<4096xf32, #tpu.memory_space<hbm>>) target_semaphore(%arg9 : memref<!tpu.dma_semaphore, #tpu.memory_space<semaphore_mem>>)
    %dma_wait3A_108 = arith.constant 0 : i32
    %dma_wait3A_109 = tpu.memref_slice %arg4[%add3A_89, %dma_wait3A_108] : memref<100x16384xf32, #tpu.memory_space<hbm>> -> memref<1x4096xf32, #tpu.memory_space<hbm>>
    %dma_wait3A_110 = tpu.memref_squeeze %dma_wait3A_109 : memref<1x4096xf32, #tpu.memory_space<hbm>> -> memref<4096xf32, #tpu.memory_space<hbm>>
    %dma_wait3A_111 = arith.constant 0 : i32
    %dma_wait3A_112 = tpu.memref_slice %arg4[%add3A_89, %dma_wait3A_111] : memref<100x16384xf32, #tpu.memory_space<hbm>> -> memref<1x4096xf32, #tpu.memory_space<hbm>>
    %dma_wait3A_113 = tpu.memref_squeeze %dma_wait3A_112 : memref<1x4096xf32, #tpu.memory_space<hbm>> -> memref<4096xf32, #tpu.memory_space<hbm>>
    tpu.wait_dma2 semaphore(%arg9 : memref<!tpu.dma_semaphore, #tpu.memory_space<semaphore_mem>>) src(%arg7 : memref<4096xf32, #tpu.memory_space<vmem>>) dst(%dma_wait3A_113 : memref<4096xf32, #tpu.memory_space<hbm>>)
    %parallel_loop3A_114 = arith.constant 0 : i32
    %parallel_loop3A_115 = arith.constant 4096 : i32
    %parallel_loop3A_116 = arith.constant 16 : i32
    scf.for %parallel_loop3A_235 = %parallel_loop3A_114 to %parallel_loop3A_115 step %parallel_loop3A_116  : i32 {
      %parallel_loop3A_236 = arith.constant 8192 : i32
      %parallel_loop3A_237 = arith.addi %parallel_loop3A_236, %parallel_loop3A_235 : i32
      %parallel_loop3A_238 = arith.index_cast %parallel_loop3A_237 : i32 to index
      %parallel_loop3A_239 = tpu.vector_load %arg6[%parallel_loop3A_238] {strides = array<i32>} : memref<16384xi32, #tpu.memory_space<vmem>>, vector<16xi32>,
      %parallel_loop3A_240 = tpu.vector_load_idx %arg5[%parallel_loop3A_239] : memref<100001xf32, #tpu.memory_space<vmem>>[vector<16xi32>], vector<16xf32>,
      %parallel_loop3A_241 = arith.index_cast %parallel_loop3A_235 : i32 to index
      %parallel_loop3A_242 = tpu.vector_load %arg7[%parallel_loop3A_241] {strides = array<i32>} : memref<4096xf32, #tpu.memory_space<vmem>>, vector<16xf32>,
      tpu.vector_store %arg7[%parallel_loop3A_241], %parallel_loop3A_240 {strides = array<i32>} : memref<4096xf32, #tpu.memory_space<vmem>>, vector<16xf32>,
    } {sc.loop_unroll_factor = 16 : i64, sc.parallel_access}
    %dma_start3A_117 = arith.constant 8192 : i32
    %dma_start3A_118 = tpu.memref_slice %arg4[%add3A_89, %dma_start3A_117] : memref<100x16384xf32, #tpu.memory_space<hbm>> -> memref<1x4096xf32, #tpu.memory_space<hbm>>
    %dma_start3A_119 = tpu.memref_squeeze %dma_start3A_118 : memref<1x4096xf32, #tpu.memory_space<hbm>> -> memref<4096xf32, #tpu.memory_space<hbm>>
    %dma_start3A_120 = arith.constant 8192 : i32
    %dma_start3A_121 = tpu.memref_slice %arg4[%add3A_89, %dma_start3A_120] : memref<100x16384xf32, #tpu.memory_space<hbm>> -> memref<1x4096xf32, #tpu.memory_space<hbm>>
    %dma_start3A_122 = tpu.memref_squeeze %dma_start3A_121 : memref<1x4096xf32, #tpu.memory_space<hbm>> -> memref<4096xf32, #tpu.memory_space<hbm>>
    tpu.enqueue_dma source(%arg7 : memref<4096xf32, #tpu.memory_space<vmem>>) target(%dma_start3A_122 : memref<4096xf32, #tpu.memory_space<hbm>>) target_semaphore(%arg9 : memref<!tpu.dma_semaphore, #tpu.memory_space<semaphore_mem>>)
    %dma_wait3A_123 = arith.constant 4096 : i32
    %dma_wait3A_124 = tpu.memref_slice %arg4[%add3A_89, %dma_wait3A_123] : memref<100x16384xf32, #tpu.memory_space<hbm>> -> memref<1x4096xf32, #tpu.memory_space<hbm>>
    %dma_wait3A_125 = tpu.memref_squeeze %dma_wait3A_124 : memref<1x4096xf32, #tpu.memory_space<hbm>> -> memref<4096xf32, #tpu.memory_space<hbm>>
    %dma_wait3A_126 = arith.constant 4096 : i32
    %dma_wait3A_127 = tpu.memref_slice %arg4[%add3A_89, %dma_wait3A_126] : memref<100x16384xf32, #tpu.memory_space<hbm>> -> memref<1x4096xf32, #tpu.memory_space<hbm>>
    %dma_wait3A_128 = tpu.memref_squeeze %dma_wait3A_127 : memref<1x4096xf32, #tpu.memory_space<hbm>> -> memref<4096xf32, #tpu.memory_space<hbm>>
    tpu.wait_dma2 semaphore(%arg9 : memref<!tpu.dma_semaphore, #tpu.memory_space<semaphore_mem>>) src(%arg8 : memref<4096xf32, #tpu.memory_space<vmem>>) dst(%dma_wait3A_128 : memref<4096xf32, #tpu.memory_space<hbm>>)
    %parallel_loop3A_129 = arith.constant 0 : i32
    %parallel_loop3A_130 = arith.constant 4096 : i32
    %parallel_loop3A_131 = arith.constant 16 : i32
    scf.for %parallel_loop3A_235 = %parallel_loop3A_129 to %parallel_loop3A_130 step %parallel_loop3A_131  : i32 {
      %parallel_loop3A_236 = arith.constant 12288 : i32
      %parallel_loop3A_237 = arith.addi %parallel_loop3A_236, %parallel_loop3A_235 : i32
      %parallel_loop3A_238 = arith.index_cast %parallel_loop3A_237 : i32 to index
      %parallel_loop3A_239 = tpu.vector_load %arg6[%parallel_loop3A_238] {strides = array<i32>} : memref<16384xi32, #tpu.memory_space<vmem>>, vector<16xi32>,
      %parallel_loop3A_240 = tpu.vector_load_idx %arg5[%parallel_loop3A_239] : memref<100001xf32, #tpu.memory_space<vmem>>[vector<16xi32>], vector<16xf32>,
      %parallel_loop3A_241 = arith.index_cast %parallel_loop3A_235 : i32 to index
      %parallel_loop3A_242 = tpu.vector_load %arg8[%parallel_loop3A_241] {strides = array<i32>} : memref<4096xf32, #tpu.memory_space<vmem>>, vector<16xf32>,
      tpu.vector_store %arg8[%parallel_loop3A_241], %parallel_loop3A_240 {strides = array<i32>} : memref<4096xf32, #tpu.memory_space<vmem>>, vector<16xf32>,
    } {sc.loop_unroll_factor = 16 : i64, sc.parallel_access}
    %dma_start3A_132 = arith.constant 12288 : i32
    %dma_start3A_133 = tpu.memref_slice %arg4[%add3A_89, %dma_start3A_132] : memref<100x16384xf32, #tpu.memory_space<hbm>> -> memref<1x4096xf32, #tpu.memory_space<hbm>>
    %dma_start3A_134 = tpu.memref_squeeze %dma_start3A_133 : memref<1x4096xf32, #tpu.memory_space<hbm>> -> memref<4096xf32, #tpu.memory_space<hbm>>
    %dma_start3A_135 = arith.constant 12288 : i32
    %dma_start3A_136 = tpu.memref_slice %arg4[%add3A_89, %dma_start3A_135] : memref<100x16384xf32, #tpu.memory_space<hbm>> -> memref<1x4096xf32, #tpu.memory_space<hbm>>
    %dma_start3A_137 = tpu.memref_squeeze %dma_start3A_136 : memref<1x4096xf32, #tpu.memory_space<hbm>> -> memref<4096xf32, #tpu.memory_space<hbm>>
    tpu.enqueue_dma source(%arg8 : memref<4096xf32, #tpu.memory_space<vmem>>) target(%dma_start3A_137 : memref<4096xf32, #tpu.memory_space<hbm>>) target_semaphore(%arg9 : memref<!tpu.dma_semaphore, #tpu.memory_space<semaphore_mem>>)
    %add3A_138 = arith.constant 64 : i32
    %add3A_139 = arith.addi %add3A, %add3A_138 : i32
    %dma_start3A_140 = arith.constant 0 : i32
    %dma_start3A_141 = tpu.memref_slice %arg2[%add3A_139, %dma_start3A_140] : memref<100x100001xf32, #tpu.memory_space<hbm>> -> memref<1x100001xf32, #tpu.memory_space<hbm>>
    %dma_start3A_142 = tpu.memref_squeeze %dma_start3A_141 : memref<1x100001xf32, #tpu.memory_space<hbm>> -> memref<100001xf32, #tpu.memory_space<hbm>>
    %dma_start3A_143 = arith.constant 0 : i32
    %dma_start3A_144 = tpu.memref_slice %arg2[%add3A_139, %dma_start3A_143] : memref<100x100001xf32, #tpu.memory_space<hbm>> -> memref<1x100001xf32, #tpu.memory_space<hbm>>
    %dma_start3A_145 = tpu.memref_squeeze %dma_start3A_144 : memref<1x100001xf32, #tpu.memory_space<hbm>> -> memref<100001xf32, #tpu.memory_space<hbm>>
    tpu.enqueue_dma source(%dma_start3A_145 : memref<100001xf32, #tpu.memory_space<hbm>>) target(%arg5 : memref<100001xf32, #tpu.memory_space<vmem>>) target_semaphore(%arg10 : memref<!tpu.dma_semaphore, #tpu.memory_space<semaphore_mem>>)
    %dma_wait3A_146 = arith.constant 8192 : i32
    %dma_wait3A_147 = tpu.memref_slice %arg4[%add3A_89, %dma_wait3A_146] : memref<100x16384xf32, #tpu.memory_space<hbm>> -> memref<1x4096xf32, #tpu.memory_space<hbm>>
    %dma_wait3A_148 = tpu.memref_squeeze %dma_wait3A_147 : memref<1x4096xf32, #tpu.memory_space<hbm>> -> memref<4096xf32, #tpu.memory_space<hbm>>
    %dma_wait3A_149 = arith.constant 8192 : i32
    %dma_wait3A_150 = tpu.memref_slice %arg4[%add3A_89, %dma_wait3A_149] : memref<100x16384xf32, #tpu.memory_space<hbm>> -> memref<1x4096xf32, #tpu.memory_space<hbm>>
    %dma_wait3A_151 = tpu.memref_squeeze %dma_wait3A_150 : memref<1x4096xf32, #tpu.memory_space<hbm>> -> memref<4096xf32, #tpu.memory_space<hbm>>
    tpu.wait_dma2 semaphore(%arg9 : memref<!tpu.dma_semaphore, #tpu.memory_space<semaphore_mem>>) src(%arg7 : memref<4096xf32, #tpu.memory_space<vmem>>) dst(%dma_wait3A_151 : memref<4096xf32, #tpu.memory_space<hbm>>)
    %dma_wait3A_152 = arith.constant 12288 : i32
    %dma_wait3A_153 = tpu.memref_slice %arg4[%add3A_89, %dma_wait3A_152] : memref<100x16384xf32, #tpu.memory_space<hbm>> -> memref<1x4096xf32, #tpu.memory_space<hbm>>
    %dma_wait3A_154 = tpu.memref_squeeze %dma_wait3A_153 : memref<1x4096xf32, #tpu.memory_space<hbm>> -> memref<4096xf32, #tpu.memory_space<hbm>>
    %dma_wait3A_155 = arith.constant 12288 : i32
    %dma_wait3A_156 = tpu.memref_slice %arg4[%add3A_89, %dma_wait3A_155] : memref<100x16384xf32, #tpu.memory_space<hbm>> -> memref<1x4096xf32, #tpu.memory_space<hbm>>
    %dma_wait3A_157 = tpu.memref_squeeze %dma_wait3A_156 : memref<1x4096xf32, #tpu.memory_space<hbm>> -> memref<4096xf32, #tpu.memory_space<hbm>>
    tpu.wait_dma2 semaphore(%arg9 : memref<!tpu.dma_semaphore, #tpu.memory_space<semaphore_mem>>) src(%arg8 : memref<4096xf32, #tpu.memory_space<vmem>>) dst(%dma_wait3A_157 : memref<4096xf32, #tpu.memory_space<hbm>>)
    %add3A_158 = arith.constant 64 : i32
    %add3A_159 = arith.addi %add3A, %add3A_158 : i32
    %dma_wait3A_160 = arith.constant 0 : i32
    %dma_wait3A_161 = tpu.memref_slice %arg2[%add3A_159, %dma_wait3A_160] : memref<100x100001xf32, #tpu.memory_space<hbm>> -> memref<1x100001xf32, #tpu.memory_space<hbm>>
    %dma_wait3A_162 = tpu.memref_squeeze %dma_wait3A_161 : memref<1x100001xf32, #tpu.memory_space<hbm>> -> memref<100001xf32, #tpu.memory_space<hbm>>
    %dma_wait3A_163 = arith.constant 0 : i32
    %dma_wait3A_164 = tpu.memref_slice %arg2[%add3A_159, %dma_wait3A_163] : memref<100x100001xf32, #tpu.memory_space<hbm>> -> memref<1x100001xf32, #tpu.memory_space<hbm>>
    %dma_wait3A_165 = tpu.memref_squeeze %dma_wait3A_164 : memref<1x100001xf32, #tpu.memory_space<hbm>> -> memref<100001xf32, #tpu.memory_space<hbm>>
    tpu.wait_dma2 semaphore(%arg10 : memref<!tpu.dma_semaphore, #tpu.memory_space<semaphore_mem>>) src(%dma_wait3A_165 : memref<100001xf32, #tpu.memory_space<hbm>>) dst(%arg5 : memref<100001xf32, #tpu.memory_space<vmem>>)
    %add3A_166 = arith.constant 64 : i32
    %add3A_167 = arith.addi %add3A, %add3A_166 : i32
    %parallel_loop3A_168 = arith.constant 0 : i32
    %parallel_loop3A_169 = arith.constant 4096 : i32
    %parallel_loop3A_170 = arith.constant 16 : i32
    scf.for %parallel_loop3A_235 = %parallel_loop3A_168 to %parallel_loop3A_169 step %parallel_loop3A_170  : i32 {
      %parallel_loop3A_236 = arith.constant 0 : i32
      %parallel_loop3A_237 = arith.addi %parallel_loop3A_236, %parallel_loop3A_235 : i32
      %parallel_loop3A_238 = arith.index_cast %parallel_loop3A_237 : i32 to index
      %parallel_loop3A_239 = tpu.vector_load %arg6[%parallel_loop3A_238] {strides = array<i32>} : memref<16384xi32, #tpu.memory_space<vmem>>, vector<16xi32>,
      %parallel_loop3A_240 = tpu.vector_load_idx %arg5[%parallel_loop3A_239] : memref<100001xf32, #tpu.memory_space<vmem>>[vector<16xi32>], vector<16xf32>,
      %parallel_loop3A_241 = arith.index_cast %parallel_loop3A_235 : i32 to index
      %parallel_loop3A_242 = tpu.vector_load %arg7[%parallel_loop3A_241] {strides = array<i32>} : memref<4096xf32, #tpu.memory_space<vmem>>, vector<16xf32>,
      tpu.vector_store %arg7[%parallel_loop3A_241], %parallel_loop3A_240 {strides = array<i32>} : memref<4096xf32, #tpu.memory_space<vmem>>, vector<16xf32>,
    } {sc.loop_unroll_factor = 16 : i64, sc.parallel_access}
    %dma_start3A_171 = arith.constant 0 : i32
    %dma_start3A_172 = tpu.memref_slice %arg4[%add3A_167, %dma_start3A_171] : memref<100x16384xf32, #tpu.memory_space<hbm>> -> memref<1x4096xf32, #tpu.memory_space<hbm>>
    %dma_start3A_173 = tpu.memref_squeeze %dma_start3A_172 : memref<1x4096xf32, #tpu.memory_space<hbm>> -> memref<4096xf32, #tpu.memory_space<hbm>>
    %dma_start3A_174 = arith.constant 0 : i32
    %dma_start3A_175 = tpu.memref_slice %arg4[%add3A_167, %dma_start3A_174] : memref<100x16384xf32, #tpu.memory_space<hbm>> -> memref<1x4096xf32, #tpu.memory_space<hbm>>
    %dma_start3A_176 = tpu.memref_squeeze %dma_start3A_175 : memref<1x4096xf32, #tpu.memory_space<hbm>> -> memref<4096xf32, #tpu.memory_space<hbm>>
    tpu.enqueue_dma source(%arg7 : memref<4096xf32, #tpu.memory_space<vmem>>) target(%dma_start3A_176 : memref<4096xf32, #tpu.memory_space<hbm>>) target_semaphore(%arg9 : memref<!tpu.dma_semaphore, #tpu.memory_space<semaphore_mem>>)
    %parallel_loop3A_177 = arith.constant 0 : i32
    %parallel_loop3A_178 = arith.constant 4096 : i32
    %parallel_loop3A_179 = arith.constant 16 : i32
    scf.for %parallel_loop3A_235 = %parallel_loop3A_177 to %parallel_loop3A_178 step %parallel_loop3A_179  : i32 {
      %parallel_loop3A_236 = arith.constant 4096 : i32
      %parallel_loop3A_237 = arith.addi %parallel_loop3A_236, %parallel_loop3A_235 : i32
      %parallel_loop3A_238 = arith.index_cast %parallel_loop3A_237 : i32 to index
      %parallel_loop3A_239 = tpu.vector_load %arg6[%parallel_loop3A_238] {strides = array<i32>} : memref<16384xi32, #tpu.memory_space<vmem>>, vector<16xi32>,
      %parallel_loop3A_240 = tpu.vector_load_idx %arg5[%parallel_loop3A_239] : memref<100001xf32, #tpu.memory_space<vmem>>[vector<16xi32>], vector<16xf32>,
      %parallel_loop3A_241 = arith.index_cast %parallel_loop3A_235 : i32 to index
      %parallel_loop3A_242 = tpu.vector_load %arg8[%parallel_loop3A_241] {strides = array<i32>} : memref<4096xf32, #tpu.memory_space<vmem>>, vector<16xf32>,
      tpu.vector_store %arg8[%parallel_loop3A_241], %parallel_loop3A_240 {strides = array<i32>} : memref<4096xf32, #tpu.memory_space<vmem>>, vector<16xf32>,
    } {sc.loop_unroll_factor = 16 : i64, sc.parallel_access}
    %dma_start3A_180 = arith.constant 4096 : i32
    %dma_start3A_181 = tpu.memref_slice %arg4[%add3A_167, %dma_start3A_180] : memref<100x16384xf32, #tpu.memory_space<hbm>> -> memref<1x4096xf32, #tpu.memory_space<hbm>>
    %dma_start3A_182 = tpu.memref_squeeze %dma_start3A_181 : memref<1x4096xf32, #tpu.memory_space<hbm>> -> memref<4096xf32, #tpu.memory_space<hbm>>
    %dma_start3A_183 = arith.constant 4096 : i32
    %dma_start3A_184 = tpu.memref_slice %arg4[%add3A_167, %dma_start3A_183] : memref<100x16384xf32, #tpu.memory_space<hbm>> -> memref<1x4096xf32, #tpu.memory_space<hbm>>
    %dma_start3A_185 = tpu.memref_squeeze %dma_start3A_184 : memref<1x4096xf32, #tpu.memory_space<hbm>> -> memref<4096xf32, #tpu.memory_space<hbm>>
    tpu.enqueue_dma source(%arg8 : memref<4096xf32, #tpu.memory_space<vmem>>) target(%dma_start3A_185 : memref<4096xf32, #tpu.memory_space<hbm>>) target_semaphore(%arg9 : memref<!tpu.dma_semaphore, #tpu.memory_space<semaphore_mem>>)
    %dma_wait3A_186 = arith.constant 0 : i32
    %dma_wait3A_187 = tpu.memref_slice %arg4[%add3A_167, %dma_wait3A_186] : memref<100x16384xf32, #tpu.memory_space<hbm>> -> memref<1x4096xf32, #tpu.memory_space<hbm>>
    %dma_wait3A_188 = tpu.memref_squeeze %dma_wait3A_187 : memref<1x4096xf32, #tpu.memory_space<hbm>> -> memref<4096xf32, #tpu.memory_space<hbm>>
    %dma_wait3A_189 = arith.constant 0 : i32
    %dma_wait3A_190 = tpu.memref_slice %arg4[%add3A_167, %dma_wait3A_189] : memref<100x16384xf32, #tpu.memory_space<hbm>> -> memref<1x4096xf32, #tpu.memory_space<hbm>>
    %dma_wait3A_191 = tpu.memref_squeeze %dma_wait3A_190 : memref<1x4096xf32, #tpu.memory_space<hbm>> -> memref<4096xf32, #tpu.memory_space<hbm>>
    tpu.wait_dma2 semaphore(%arg9 : memref<!tpu.dma_semaphore, #tpu.memory_space<semaphore_mem>>) src(%arg7 : memref<4096xf32, #tpu.memory_space<vmem>>) dst(%dma_wait3A_191 : memref<4096xf32, #tpu.memory_space<hbm>>)
    %parallel_loop3A_192 = arith.constant 0 : i32
    %parallel_loop3A_193 = arith.constant 4096 : i32
    %parallel_loop3A_194 = arith.constant 16 : i32
    scf.for %parallel_loop3A_235 = %parallel_loop3A_192 to %parallel_loop3A_193 step %parallel_loop3A_194  : i32 {
      %parallel_loop3A_236 = arith.constant 8192 : i32
      %parallel_loop3A_237 = arith.addi %parallel_loop3A_236, %parallel_loop3A_235 : i32
      %parallel_loop3A_238 = arith.index_cast %parallel_loop3A_237 : i32 to index
      %parallel_loop3A_239 = tpu.vector_load %arg6[%parallel_loop3A_238] {strides = array<i32>} : memref<16384xi32, #tpu.memory_space<vmem>>, vector<16xi32>,
      %parallel_loop3A_240 = tpu.vector_load_idx %arg5[%parallel_loop3A_239] : memref<100001xf32, #tpu.memory_space<vmem>>[vector<16xi32>], vector<16xf32>,
      %parallel_loop3A_241 = arith.index_cast %parallel_loop3A_235 : i32 to index
      %parallel_loop3A_242 = tpu.vector_load %arg7[%parallel_loop3A_241] {strides = array<i32>} : memref<4096xf32, #tpu.memory_space<vmem>>, vector<16xf32>,
      tpu.vector_store %arg7[%parallel_loop3A_241], %parallel_loop3A_240 {strides = array<i32>} : memref<4096xf32, #tpu.memory_space<vmem>>, vector<16xf32>,
    } {sc.loop_unroll_factor = 16 : i64, sc.parallel_access}
    %dma_start3A_195 = arith.constant 8192 : i32
    %dma_start3A_196 = tpu.memref_slice %arg4[%add3A_167, %dma_start3A_195] : memref<100x16384xf32, #tpu.memory_space<hbm>> -> memref<1x4096xf32, #tpu.memory_space<hbm>>
    %dma_start3A_197 = tpu.memref_squeeze %dma_start3A_196 : memref<1x4096xf32, #tpu.memory_space<hbm>> -> memref<4096xf32, #tpu.memory_space<hbm>>
    %dma_start3A_198 = arith.constant 8192 : i32
    %dma_start3A_199 = tpu.memref_slice %arg4[%add3A_167, %dma_start3A_198] : memref<100x16384xf32, #tpu.memory_space<hbm>> -> memref<1x4096xf32, #tpu.memory_space<hbm>>
    %dma_start3A_200 = tpu.memref_squeeze %dma_start3A_199 : memref<1x4096xf32, #tpu.memory_space<hbm>> -> memref<4096xf32, #tpu.memory_space<hbm>>
    tpu.enqueue_dma source(%arg7 : memref<4096xf32, #tpu.memory_space<vmem>>) target(%dma_start3A_200 : memref<4096xf32, #tpu.memory_space<hbm>>) target_semaphore(%arg9 : memref<!tpu.dma_semaphore, #tpu.memory_space<semaphore_mem>>)
    %dma_wait3A_201 = arith.constant 4096 : i32
    %dma_wait3A_202 = tpu.memref_slice %arg4[%add3A_167, %dma_wait3A_201] : memref<100x16384xf32, #tpu.memory_space<hbm>> -> memref<1x4096xf32, #tpu.memory_space<hbm>>
    %dma_wait3A_203 = tpu.memref_squeeze %dma_wait3A_202 : memref<1x4096xf32, #tpu.memory_space<hbm>> -> memref<4096xf32, #tpu.memory_space<hbm>>
    %dma_wait3A_204 = arith.constant 4096 : i32
    %dma_wait3A_205 = tpu.memref_slice %arg4[%add3A_167, %dma_wait3A_204] : memref<100x16384xf32, #tpu.memory_space<hbm>> -> memref<1x4096xf32, #tpu.memory_space<hbm>>
    %dma_wait3A_206 = tpu.memref_squeeze %dma_wait3A_205 : memref<1x4096xf32, #tpu.memory_space<hbm>> -> memref<4096xf32, #tpu.memory_space<hbm>>
    tpu.wait_dma2 semaphore(%arg9 : memref<!tpu.dma_semaphore, #tpu.memory_space<semaphore_mem>>) src(%arg8 : memref<4096xf32, #tpu.memory_space<vmem>>) dst(%dma_wait3A_206 : memref<4096xf32, #tpu.memory_space<hbm>>)
    %parallel_loop3A_207 = arith.constant 0 : i32
    %parallel_loop3A_208 = arith.constant 4096 : i32
    %parallel_loop3A_209 = arith.constant 16 : i32
    scf.for %parallel_loop3A_235 = %parallel_loop3A_207 to %parallel_loop3A_208 step %parallel_loop3A_209  : i32 {
      %parallel_loop3A_236 = arith.constant 12288 : i32
      %parallel_loop3A_237 = arith.addi %parallel_loop3A_236, %parallel_loop3A_235 : i32
      %parallel_loop3A_238 = arith.index_cast %parallel_loop3A_237 : i32 to index
      %parallel_loop3A_239 = tpu.vector_load %arg6[%parallel_loop3A_238] {strides = array<i32>} : memref<16384xi32, #tpu.memory_space<vmem>>, vector<16xi32>,
      %parallel_loop3A_240 = tpu.vector_load_idx %arg5[%parallel_loop3A_239] : memref<100001xf32, #tpu.memory_space<vmem>>[vector<16xi32>], vector<16xf32>,
      %parallel_loop3A_241 = arith.index_cast %parallel_loop3A_235 : i32 to index
      %parallel_loop3A_242 = tpu.vector_load %arg8[%parallel_loop3A_241] {strides = array<i32>} : memref<4096xf32, #tpu.memory_space<vmem>>, vector<16xf32>,
      tpu.vector_store %arg8[%parallel_loop3A_241], %parallel_loop3A_240 {strides = array<i32>} : memref<4096xf32, #tpu.memory_space<vmem>>, vector<16xf32>,
    } {sc.loop_unroll_factor = 16 : i64, sc.parallel_access}
    %dma_start3A_210 = arith.constant 12288 : i32
    %dma_start3A_211 = tpu.memref_slice %arg4[%add3A_167, %dma_start3A_210] : memref<100x16384xf32, #tpu.memory_space<hbm>> -> memref<1x4096xf32, #tpu.memory_space<hbm>>
    %dma_start3A_212 = tpu.memref_squeeze %dma_start3A_211 : memref<1x4096xf32, #tpu.memory_space<hbm>> -> memref<4096xf32, #tpu.memory_space<hbm>>
    %dma_start3A_213 = arith.constant 12288 : i32
    %dma_start3A_214 = tpu.memref_slice %arg4[%add3A_167, %dma_start3A_213] : memref<100x16384xf32, #tpu.memory_space<hbm>> -> memref<1x4096xf32, #tpu.memory_space<hbm>>
    %dma_start3A_215 = tpu.memref_squeeze %dma_start3A_214 : memref<1x4096xf32, #tpu.memory_space<hbm>> -> memref<4096xf32, #tpu.memory_space<hbm>>
    tpu.enqueue_dma source(%arg8 : memref<4096xf32, #tpu.memory_space<vmem>>) target(%dma_start3A_215 : memref<4096xf32, #tpu.memory_space<hbm>>) target_semaphore(%arg9 : memref<!tpu.dma_semaphore, #tpu.memory_space<semaphore_mem>>)
    %lt3A = arith.constant 4 : i32
    %lt3A_216 = arith.cmpi slt, %add3A, %lt3A : i32
    %convert_element_type3A = arith.extui %lt3A_216 : i1 to i32
    %cond3A = arith.constant 0 : i32
    %cond3A_217 = arith.cmpi ne, %convert_element_type3A, %cond3A : i32
    scf.if %cond3A_217 {
      %add3A_235 = arith.constant 64 : i32
      %add3A_236 = arith.addi %add3A, %add3A_235 : i32
      %add3A_237 = arith.constant 32 : i32
      %add3A_238 = arith.addi %add3A_236, %add3A_237 : i32
      %dma_start3A_239 = arith.constant 0 : i32
      %dma_start3A_240 = tpu.memref_slice %arg2[%add3A_238, %dma_start3A_239] : memref<100x100001xf32, #tpu.memory_space<hbm>> -> memref<1x100001xf32, #tpu.memory_space<hbm>>
      %dma_start3A_241 = tpu.memref_squeeze %dma_start3A_240 : memref<1x100001xf32, #tpu.memory_space<hbm>> -> memref<100001xf32, #tpu.memory_space<hbm>>
      %dma_start3A_242 = arith.constant 0 : i32
      %dma_start3A_243 = tpu.memref_slice %arg2[%add3A_238, %dma_start3A_242] : memref<100x100001xf32, #tpu.memory_space<hbm>> -> memref<1x100001xf32, #tpu.memory_space<hbm>>
      %dma_start3A_244 = tpu.memref_squeeze %dma_start3A_243 : memref<1x100001xf32, #tpu.memory_space<hbm>> -> memref<100001xf32, #tpu.memory_space<hbm>>
      tpu.enqueue_dma source(%dma_start3A_244 : memref<100001xf32, #tpu.memory_space<hbm>>) target(%arg5 : memref<100001xf32, #tpu.memory_space<vmem>>) target_semaphore(%arg10 : memref<!tpu.dma_semaphore, #tpu.memory_space<semaphore_mem>>)
    } else {
    }
    %dma_wait3A_218 = arith.constant 8192 : i32
    %dma_wait3A_219 = tpu.memref_slice %arg4[%add3A_167, %dma_wait3A_218] : memref<100x16384xf32, #tpu.memory_space<hbm>> -> memref<1x4096xf32, #tpu.memory_space<hbm>>
    %dma_wait3A_220 = tpu.memref_squeeze %dma_wait3A_219 : memref<1x4096xf32, #tpu.memory_space<hbm>> -> memref<4096xf32, #tpu.memory_space<hbm>>
    %dma_wait3A_221 = arith.constant 8192 : i32
    %dma_wait3A_222 = tpu.memref_slice %arg4[%add3A_167, %dma_wait3A_221] : memref<100x16384xf32, #tpu.memory_space<hbm>> -> memref<1x4096xf32, #tpu.memory_space<hbm>>
    %dma_wait3A_223 = tpu.memref_squeeze %dma_wait3A_222 : memref<1x4096xf32, #tpu.memory_space<hbm>> -> memref<4096xf32, #tpu.memory_space<hbm>>
    tpu.wait_dma2 semaphore(%arg9 : memref<!tpu.dma_semaphore, #tpu.memory_space<semaphore_mem>>) src(%arg7 : memref<4096xf32, #tpu.memory_space<vmem>>) dst(%dma_wait3A_223 : memref<4096xf32, #tpu.memory_space<hbm>>)
    %dma_wait3A_224 = arith.constant 12288 : i32
    %dma_wait3A_225 = tpu.memref_slice %arg4[%add3A_167, %dma_wait3A_224] : memref<100x16384xf32, #tpu.memory_space<hbm>> -> memref<1x4096xf32, #tpu.memory_space<hbm>>
    %dma_wait3A_226 = tpu.memref_squeeze %dma_wait3A_225 : memref<1x4096xf32, #tpu.memory_space<hbm>> -> memref<4096xf32, #tpu.memory_space<hbm>>
    %dma_wait3A_227 = arith.constant 12288 : i32
    %dma_wait3A_228 = tpu.memref_slice %arg4[%add3A_167, %dma_wait3A_227] : memref<100x16384xf32, #tpu.memory_space<hbm>> -> memref<1x4096xf32, #tpu.memory_space<hbm>>
    %dma_wait3A_229 = tpu.memref_squeeze %dma_wait3A_228 : memref<1x4096xf32, #tpu.memory_space<hbm>> -> memref<4096xf32, #tpu.memory_space<hbm>>
    tpu.wait_dma2 semaphore(%arg9 : memref<!tpu.dma_semaphore, #tpu.memory_space<semaphore_mem>>) src(%arg8 : memref<4096xf32, #tpu.memory_space<vmem>>) dst(%dma_wait3A_229 : memref<4096xf32, #tpu.memory_space<hbm>>)
    %lt3A_230 = arith.constant 4 : i32
    %lt3A_231 = arith.cmpi slt, %add3A, %lt3A_230 : i32
    %convert_element_type3A_232 = arith.extui %lt3A_231 : i1 to i32
    %cond3A_233 = arith.constant 0 : i32
    %cond3A_234 = arith.cmpi ne, %convert_element_type3A_232, %cond3A_233 : i32
    scf.if %cond3A_234 {
      %add3A_235 = arith.constant 96 : i32
      %add3A_236 = arith.addi %add3A, %add3A_235 : i32
      %dma_wait3A_237 = arith.constant 0 : i32
      %dma_wait3A_238 = tpu.memref_slice %arg2[%add3A_236, %dma_wait3A_237] : memref<100x100001xf32, #tpu.memory_space<hbm>> -> memref<1x100001xf32, #tpu.memory_space<hbm>>
      %dma_wait3A_239 = tpu.memref_squeeze %dma_wait3A_238 : memref<1x100001xf32, #tpu.memory_space<hbm>> -> memref<100001xf32, #tpu.memory_space<hbm>>
      %dma_wait3A_240 = arith.constant 0 : i32
      %dma_wait3A_241 = tpu.memref_slice %arg2[%add3A_236, %dma_wait3A_240] : memref<100x100001xf32, #tpu.memory_space<hbm>> -> memref<1x100001xf32, #tpu.memory_space<hbm>>
      %dma_wait3A_242 = tpu.memref_squeeze %dma_wait3A_241 : memref<1x100001xf32, #tpu.memory_space<hbm>> -> memref<100001xf32, #tpu.memory_space<hbm>>
      tpu.wait_dma2 semaphore(%arg10 : memref<!tpu.dma_semaphore, #tpu.memory_space<semaphore_mem>>) src(%dma_wait3A_242 : memref<100001xf32, #tpu.memory_space<hbm>>) dst(%arg5 : memref<100001xf32, #tpu.memory_space<vmem>>)
      %parallel_loop3A_243 = arith.constant 0 : i32
      %parallel_loop3A_244 = arith.constant 4096 : i32
      %parallel_loop3A_245 = arith.constant 16 : i32
      scf.for %parallel_loop3A_303 = %parallel_loop3A_243 to %parallel_loop3A_244 step %parallel_loop3A_245  : i32 {
        %parallel_loop3A_304 = arith.constant 0 : i32
        %parallel_loop3A_305 = arith.addi %parallel_loop3A_304, %parallel_loop3A_303 : i32
        %parallel_loop3A_306 = arith.index_cast %parallel_loop3A_305 : i32 to index
        %parallel_loop3A_307 = tpu.vector_load %arg6[%parallel_loop3A_306] {strides = array<i32>} : memref<16384xi32, #tpu.memory_space<vmem>>, vector<16xi32>,
        %parallel_loop3A_308 = tpu.vector_load_idx %arg5[%parallel_loop3A_307] : memref<100001xf32, #tpu.memory_space<vmem>>[vector<16xi32>], vector<16xf32>,
        %parallel_loop3A_309 = arith.index_cast %parallel_loop3A_303 : i32 to index
        %parallel_loop3A_310 = tpu.vector_load %arg7[%parallel_loop3A_309] {strides = array<i32>} : memref<4096xf32, #tpu.memory_space<vmem>>, vector<16xf32>,
        tpu.vector_store %arg7[%parallel_loop3A_309], %parallel_loop3A_308 {strides = array<i32>} : memref<4096xf32, #tpu.memory_space<vmem>>, vector<16xf32>,
      } {sc.loop_unroll_factor = 16 : i64, sc.parallel_access}
      %dma_start3A_246 = arith.constant 0 : i32
      %dma_start3A_247 = tpu.memref_slice %arg4[%add3A_236, %dma_start3A_246] : memref<100x16384xf32, #tpu.memory_space<hbm>> -> memref<1x4096xf32, #tpu.memory_space<hbm>>
      %dma_start3A_248 = tpu.memref_squeeze %dma_start3A_247 : memref<1x4096xf32, #tpu.memory_space<hbm>> -> memref<4096xf32, #tpu.memory_space<hbm>>
      %dma_start3A_249 = arith.constant 0 : i32
      %dma_start3A_250 = tpu.memref_slice %arg4[%add3A_236, %dma_start3A_249] : memref<100x16384xf32, #tpu.memory_space<hbm>> -> memref<1x4096xf32, #tpu.memory_space<hbm>>
      %dma_start3A_251 = tpu.memref_squeeze %dma_start3A_250 : memref<1x4096xf32, #tpu.memory_space<hbm>> -> memref<4096xf32, #tpu.memory_space<hbm>>
      tpu.enqueue_dma source(%arg7 : memref<4096xf32, #tpu.memory_space<vmem>>) target(%dma_start3A_251 : memref<4096xf32, #tpu.memory_space<hbm>>) target_semaphore(%arg9 : memref<!tpu.dma_semaphore, #tpu.memory_space<semaphore_mem>>)
      %parallel_loop3A_252 = arith.constant 0 : i32
      %parallel_loop3A_253 = arith.constant 4096 : i32
      %parallel_loop3A_254 = arith.constant 16 : i32
      scf.for %parallel_loop3A_303 = %parallel_loop3A_252 to %parallel_loop3A_253 step %parallel_loop3A_254  : i32 {
        %parallel_loop3A_304 = arith.constant 4096 : i32
        %parallel_loop3A_305 = arith.addi %parallel_loop3A_304, %parallel_loop3A_303 : i32
        %parallel_loop3A_306 = arith.index_cast %parallel_loop3A_305 : i32 to index
        %parallel_loop3A_307 = tpu.vector_load %arg6[%parallel_loop3A_306] {strides = array<i32>} : memref<16384xi32, #tpu.memory_space<vmem>>, vector<16xi32>,
        %parallel_loop3A_308 = tpu.vector_load_idx %arg5[%parallel_loop3A_307] : memref<100001xf32, #tpu.memory_space<vmem>>[vector<16xi32>], vector<16xf32>,
        %parallel_loop3A_309 = arith.index_cast %parallel_loop3A_303 : i32 to index
        %parallel_loop3A_310 = tpu.vector_load %arg8[%parallel_loop3A_309] {strides = array<i32>} : memref<4096xf32, #tpu.memory_space<vmem>>, vector<16xf32>,
        tpu.vector_store %arg8[%parallel_loop3A_309], %parallel_loop3A_308 {strides = array<i32>} : memref<4096xf32, #tpu.memory_space<vmem>>, vector<16xf32>,
      } {sc.loop_unroll_factor = 16 : i64, sc.parallel_access}
      %dma_start3A_255 = arith.constant 4096 : i32
      %dma_start3A_256 = tpu.memref_slice %arg4[%add3A_236, %dma_start3A_255] : memref<100x16384xf32, #tpu.memory_space<hbm>> -> memref<1x4096xf32, #tpu.memory_space<hbm>>
      %dma_start3A_257 = tpu.memref_squeeze %dma_start3A_256 : memref<1x4096xf32, #tpu.memory_space<hbm>> -> memref<4096xf32, #tpu.memory_space<hbm>>
      %dma_start3A_258 = arith.constant 4096 : i32
      %dma_start3A_259 = tpu.memref_slice %arg4[%add3A_236, %dma_start3A_258] : memref<100x16384xf32, #tpu.memory_space<hbm>> -> memref<1x4096xf32, #tpu.memory_space<hbm>>
      %dma_start3A_260 = tpu.memref_squeeze %dma_start3A_259 : memref<1x4096xf32, #tpu.memory_space<hbm>> -> memref<4096xf32, #tpu.memory_space<hbm>>
      tpu.enqueue_dma source(%arg8 : memref<4096xf32, #tpu.memory_space<vmem>>) target(%dma_start3A_260 : memref<4096xf32, #tpu.memory_space<hbm>>) target_semaphore(%arg9 : memref<!tpu.dma_semaphore, #tpu.memory_space<semaphore_mem>>)
      %dma_wait3A_261 = arith.constant 0 : i32
      %dma_wait3A_262 = tpu.memref_slice %arg4[%add3A_236, %dma_wait3A_261] : memref<100x16384xf32, #tpu.memory_space<hbm>> -> memref<1x4096xf32, #tpu.memory_space<hbm>>
      %dma_wait3A_263 = tpu.memref_squeeze %dma_wait3A_262 : memref<1x4096xf32, #tpu.memory_space<hbm>> -> memref<4096xf32, #tpu.memory_space<hbm>>
      %dma_wait3A_264 = arith.constant 0 : i32
      %dma_wait3A_265 = tpu.memref_slice %arg4[%add3A_236, %dma_wait3A_264] : memref<100x16384xf32, #tpu.memory_space<hbm>> -> memref<1x4096xf32, #tpu.memory_space<hbm>>
      %dma_wait3A_266 = tpu.memref_squeeze %dma_wait3A_265 : memref<1x4096xf32, #tpu.memory_space<hbm>> -> memref<4096xf32, #tpu.memory_space<hbm>>
      tpu.wait_dma2 semaphore(%arg9 : memref<!tpu.dma_semaphore, #tpu.memory_space<semaphore_mem>>) src(%arg7 : memref<4096xf32, #tpu.memory_space<vmem>>) dst(%dma_wait3A_266 : memref<4096xf32, #tpu.memory_space<hbm>>)
      %parallel_loop3A_267 = arith.constant 0 : i32
      %parallel_loop3A_268 = arith.constant 4096 : i32
      %parallel_loop3A_269 = arith.constant 16 : i32
      scf.for %parallel_loop3A_303 = %parallel_loop3A_267 to %parallel_loop3A_268 step %parallel_loop3A_269  : i32 {
        %parallel_loop3A_304 = arith.constant 8192 : i32
        %parallel_loop3A_305 = arith.addi %parallel_loop3A_304, %parallel_loop3A_303 : i32
        %parallel_loop3A_306 = arith.index_cast %parallel_loop3A_305 : i32 to index
        %parallel_loop3A_307 = tpu.vector_load %arg6[%parallel_loop3A_306] {strides = array<i32>} : memref<16384xi32, #tpu.memory_space<vmem>>, vector<16xi32>,
        %parallel_loop3A_308 = tpu.vector_load_idx %arg5[%parallel_loop3A_307] : memref<100001xf32, #tpu.memory_space<vmem>>[vector<16xi32>], vector<16xf32>,
        %parallel_loop3A_309 = arith.index_cast %parallel_loop3A_303 : i32 to index
        %parallel_loop3A_310 = tpu.vector_load %arg7[%parallel_loop3A_309] {strides = array<i32>} : memref<4096xf32, #tpu.memory_space<vmem>>, vector<16xf32>,
        tpu.vector_store %arg7[%parallel_loop3A_309], %parallel_loop3A_308 {strides = array<i32>} : memref<4096xf32, #tpu.memory_space<vmem>>, vector<16xf32>,
      } {sc.loop_unroll_factor = 16 : i64, sc.parallel_access}
      %dma_start3A_270 = arith.constant 8192 : i32
      %dma_start3A_271 = tpu.memref_slice %arg4[%add3A_236, %dma_start3A_270] : memref<100x16384xf32, #tpu.memory_space<hbm>> -> memref<1x4096xf32, #tpu.memory_space<hbm>>
      %dma_start3A_272 = tpu.memref_squeeze %dma_start3A_271 : memref<1x4096xf32, #tpu.memory_space<hbm>> -> memref<4096xf32, #tpu.memory_space<hbm>>
      %dma_start3A_273 = arith.constant 8192 : i32
      %dma_start3A_274 = tpu.memref_slice %arg4[%add3A_236, %dma_start3A_273] : memref<100x16384xf32, #tpu.memory_space<hbm>> -> memref<1x4096xf32, #tpu.memory_space<hbm>>
      %dma_start3A_275 = tpu.memref_squeeze %dma_start3A_274 : memref<1x4096xf32, #tpu.memory_space<hbm>> -> memref<4096xf32, #tpu.memory_space<hbm>>
      tpu.enqueue_dma source(%arg7 : memref<4096xf32, #tpu.memory_space<vmem>>) target(%dma_start3A_275 : memref<4096xf32, #tpu.memory_space<hbm>>) target_semaphore(%arg9 : memref<!tpu.dma_semaphore, #tpu.memory_space<semaphore_mem>>)
      %dma_wait3A_276 = arith.constant 4096 : i32
      %dma_wait3A_277 = tpu.memref_slice %arg4[%add3A_236, %dma_wait3A_276] : memref<100x16384xf32, #tpu.memory_space<hbm>> -> memref<1x4096xf32, #tpu.memory_space<hbm>>
      %dma_wait3A_278 = tpu.memref_squeeze %dma_wait3A_277 : memref<1x4096xf32, #tpu.memory_space<hbm>> -> memref<4096xf32, #tpu.memory_space<hbm>>
      %dma_wait3A_279 = arith.constant 4096 : i32
      %dma_wait3A_280 = tpu.memref_slice %arg4[%add3A_236, %dma_wait3A_279] : memref<100x16384xf32, #tpu.memory_space<hbm>> -> memref<1x4096xf32, #tpu.memory_space<hbm>>
      %dma_wait3A_281 = tpu.memref_squeeze %dma_wait3A_280 : memref<1x4096xf32, #tpu.memory_space<hbm>> -> memref<4096xf32, #tpu.memory_space<hbm>>
      tpu.wait_dma2 semaphore(%arg9 : memref<!tpu.dma_semaphore, #tpu.memory_space<semaphore_mem>>) src(%arg8 : memref<4096xf32, #tpu.memory_space<vmem>>) dst(%dma_wait3A_281 : memref<4096xf32, #tpu.memory_space<hbm>>)
      %parallel_loop3A_282 = arith.constant 0 : i32
      %parallel_loop3A_283 = arith.constant 4096 : i32
      %parallel_loop3A_284 = arith.constant 16 : i32
      scf.for %parallel_loop3A_303 = %parallel_loop3A_282 to %parallel_loop3A_283 step %parallel_loop3A_284  : i32 {
        %parallel_loop3A_304 = arith.constant 12288 : i32
        %parallel_loop3A_305 = arith.addi %parallel_loop3A_304, %parallel_loop3A_303 : i32
        %parallel_loop3A_306 = arith.index_cast %parallel_loop3A_305 : i32 to index
        %parallel_loop3A_307 = tpu.vector_load %arg6[%parallel_loop3A_306] {strides = array<i32>} : memref<16384xi32, #tpu.memory_space<vmem>>, vector<16xi32>,
        %parallel_loop3A_308 = tpu.vector_load_idx %arg5[%parallel_loop3A_307] : memref<100001xf32, #tpu.memory_space<vmem>>[vector<16xi32>], vector<16xf32>,
        %parallel_loop3A_309 = arith.index_cast %parallel_loop3A_303 : i32 to index
        %parallel_loop3A_310 = tpu.vector_load %arg8[%parallel_loop3A_309] {strides = array<i32>} : memref<4096xf32, #tpu.memory_space<vmem>>, vector<16xf32>,
        tpu.vector_store %arg8[%parallel_loop3A_309], %parallel_loop3A_308 {strides = array<i32>} : memref<4096xf32, #tpu.memory_space<vmem>>, vector<16xf32>,
      } {sc.loop_unroll_factor = 16 : i64, sc.parallel_access}
      %dma_start3A_285 = arith.constant 12288 : i32
      %dma_start3A_286 = tpu.memref_slice %arg4[%add3A_236, %dma_start3A_285] : memref<100x16384xf32, #tpu.memory_space<hbm>> -> memref<1x4096xf32, #tpu.memory_space<hbm>>
      %dma_start3A_287 = tpu.memref_squeeze %dma_start3A_286 : memref<1x4096xf32, #tpu.memory_space<hbm>> -> memref<4096xf32, #tpu.memory_space<hbm>>
      %dma_start3A_288 = arith.constant 12288 : i32
      %dma_start3A_289 = tpu.memref_slice %arg4[%add3A_236, %dma_start3A_288] : memref<100x16384xf32, #tpu.memory_space<hbm>> -> memref<1x4096xf32, #tpu.memory_space<hbm>>
      %dma_start3A_290 = tpu.memref_squeeze %dma_start3A_289 : memref<1x4096xf32, #tpu.memory_space<hbm>> -> memref<4096xf32, #tpu.memory_space<hbm>>
      tpu.enqueue_dma source(%arg8 : memref<4096xf32, #tpu.memory_space<vmem>>) target(%dma_start3A_290 : memref<4096xf32, #tpu.memory_space<hbm>>) target_semaphore(%arg9 : memref<!tpu.dma_semaphore, #tpu.memory_space<semaphore_mem>>)
      %dma_wait3A_291 = arith.constant 8192 : i32
      %dma_wait3A_292 = tpu.memref_slice %arg4[%add3A_236, %dma_wait3A_291] : memref<100x16384xf32, #tpu.memory_space<hbm>> -> memref<1x4096xf32, #tpu.memory_space<hbm>>
      %dma_wait3A_293 = tpu.memref_squeeze %dma_wait3A_292 : memref<1x4096xf32, #tpu.memory_space<hbm>> -> memref<4096xf32, #tpu.memory_space<hbm>>
      %dma_wait3A_294 = arith.constant 8192 : i32
      %dma_wait3A_295 = tpu.memref_slice %arg4[%add3A_236, %dma_wait3A_294] : memref<100x16384xf32, #tpu.memory_space<hbm>> -> memref<1x4096xf32, #tpu.memory_space<hbm>>
      %dma_wait3A_296 = tpu.memref_squeeze %dma_wait3A_295 : memref<1x4096xf32, #tpu.memory_space<hbm>> -> memref<4096xf32, #tpu.memory_space<hbm>>
      tpu.wait_dma2 semaphore(%arg9 : memref<!tpu.dma_semaphore, #tpu.memory_space<semaphore_mem>>) src(%arg7 : memref<4096xf32, #tpu.memory_space<vmem>>) dst(%dma_wait3A_296 : memref<4096xf32, #tpu.memory_space<hbm>>)
      %dma_wait3A_297 = arith.constant 12288 : i32
      %dma_wait3A_298 = tpu.memref_slice %arg4[%add3A_236, %dma_wait3A_297] : memref<100x16384xf32, #tpu.memory_space<hbm>> -> memref<1x4096xf32, #tpu.memory_space<hbm>>
      %dma_wait3A_299 = tpu.memref_squeeze %dma_wait3A_298 : memref<1x4096xf32, #tpu.memory_space<hbm>> -> memref<4096xf32, #tpu.memory_space<hbm>>
      %dma_wait3A_300 = arith.constant 12288 : i32
      %dma_wait3A_301 = tpu.memref_slice %arg4[%add3A_236, %dma_wait3A_300] : memref<100x16384xf32, #tpu.memory_space<hbm>> -> memref<1x4096xf32, #tpu.memory_space<hbm>>
      %dma_wait3A_302 = tpu.memref_squeeze %dma_wait3A_301 : memref<1x4096xf32, #tpu.memory_space<hbm>> -> memref<4096xf32, #tpu.memory_space<hbm>>
      tpu.wait_dma2 semaphore(%arg9 : memref<!tpu.dma_semaphore, #tpu.memory_space<semaphore_mem>>) src(%arg8 : memref<4096xf32, #tpu.memory_space<vmem>>) dst(%dma_wait3A_302 : memref<4096xf32, #tpu.memory_space<hbm>>)
    } else {
    }
    return
  }
}

</mosaic_0001>

<sc_bundles>
// kernel: kernel.3.cloned.1.call-start
scs
__scs_entry_jumppad:
0x0: {  	(pc) =	sbr.rel $0x88, $3  }
0x1: {  	(tag) =	ssettag $0x0;
	lr =	simm.s32 $0x1  }
0x2: {  	[smem:$0x3F9F] =	sst lr;
	_ =	strace $0xD0000000  }
0x3: {  	_ = 	snop  }
0x4: {  	_ = 	snop  }
0x5: {  	_ = 	snop  }
0x6: {  	_ = 	snop  }
0x7: {  	_ = 	snop  }
__scs_overlays_trampoline_lowered:
0x8: {  	[smem:$0x3FAE] =	sst s0  }
0x9: {  	[smem:$0x3FAF] =	sst s1  }
0xa: {  	[smem:$0x3FB0] =	sst s2  }
0xb: {  	[smem:$0x3FB1] =	sst s3  }
0xc: {  	[smem:$0x3FB2] =	sst s4  }
0xd: {  	[smem:$0x3FB3] =	sst s5  }
0xe: {  	[smem:$0x3FB4] =	sst s6  }
0xf: {  	[smem:$0x3FB5] =	sst s7  }
0x10: {  	[smem:$0x3FB6] =	sst s8  }
0x11: {  	[smem:$0x3FB7] =	sst s9;
	s0 =	simm.s32 @!p0 $0x0  }
0x12: {  	s1 =	sld [smem:$0x3F9D];
	s0 =	simm.s32 @p0 $0x1  }
0x13: {  	[smem:$0x3FB8] =	sst s0;
	s0 =	simm.s32 @!p1 $0x0  }
0x14: {  	s2 =	sld [smem:$0x3F9C];
	s0 =	simm.s32 @p1 $0x1  }
0x15: {  	[smem:$0x3FB9] =	sst s0;
	s0 =	simm.s32 @!p2 $0x0  }
0x16: {  	s3 =	sld [smem:$0x3FDB];
	s0 =	simm.s32 @p2 $0x1  }
0x17: {  	s4 =	simm.s32 $0x1BF5;
	[smem:$0x3FBB] =	sst s0  }
0x18: {  	s0 =	sld [smem:$0x3F9E];
	_ =	swait.ge [sflag:s4], $0x0  }
0x19: {  	s7 =	sld [smem:$0x3F9F]  }
0x1a: {  	s8 =	sadd.s32 $0xFFFFE003, lr  }
0x1b: {  	s9 =	sadd.s32 $0xFFFFFEF7, lr;
	s5 =	simm.s32 $0xFFFFFFFF;
	p2 =	slt.u32 s8, $0xFFFFF086  }
0x1c: {  	p1 =	slt.u32 s9, $0xF7A;
	s5 =	simm.s32 @!p2 $0x0  }
0x1d: {  	s5 =	simm.s32 @p1 $0x1;
	p0 =	seq.s32 s7, s2  }
0x1e: {  	s7 =	smul.u32 @!p0 $0xF7A, s2;
	p2 =	seq.s32 @!p0 s5, $0x0  }
0x1f: {  	s9 =	smul.u32 $0xF7A, s1;
	s8 =	simm.s32 @!p0 $0x1BF5;
	p2 =	por !p2, p0  }
0x20: {  	[sflag:s8] =	ssyncset.s32 @!p0 $0xFFFFF086;
	s6 =	sadd.s32 @!p0 s3, s7;
	s7 =	simm.s32 @!p0 $0x108  }
0x21: {  	s3 =	sadd.s32 s3, s9;
	s6 =	sadd.s32 @!p0 $0x88, s6;
	s7 =	simm.s32 @p2 $0x1082  }
0x22: {  	[simem:s7], [sflag:s8] =	dma.local @!p0 [hbm:s6], $0xF7A  }
0x23: {  	s9 =	sor.u32 $0xD0000000, s2;
	s6 =	simm.s32 $0x108;
	_ =	swait.ge @!p0 [sflag:s8], $0x0  }
0x24: {  	s3 =	sadd.s32 $0x88, s3;
	s6 =	simm.s32 @!p1 $0x1082;
	[sflag:s4] =	ssyncset.s32 $0xFFFFF086  }
0x25: {  	[simem:s6], [sflag:s4] =	dma.local [hbm:s3], $0xF7A  }
0x26: {  	[smem:$0x3F9F] =	sst s1;
	(tag) =	ssettag s2;
	_ =	strace s9  }
0x27: {  	s1 =	sld [smem:$0x3FAF]  }
0x28: {  	s2 =	sld [smem:$0x3FB0]  }
0x29: {  	s4 =	sld [smem:$0x3FB2]  }
0x2a: {  	p0 =	seq.s32 s5, $0x0;
	s5 =	sld [smem:$0x3FB3]  }
0x2b: {  	s6 =	sld [smem:$0x3FB4]  }
0x2c: {  	s7 =	sld [smem:$0x3FB5]  }
0x2d: {  	s3 =	simm.s32 $0x108;
	s8 =	sld [smem:$0x3FB6]  }
0x2e: {  	s3 =	simm.s32 @!p0 $0x1082;
	s9 =	sld [smem:$0x3FB7]  }
0x2f: {  	lr =	sadd.s32 s0, s3;
	s0 =	sld [smem:$0x3FAE]  }
0x30: {  	s3 =	sld [smem:$0x3FB1]  }
0x31: {  	[smem:$0x3FBA] =	sst s10  }
0x32: {  	s10 =	sld [smem:$0x3FB8];
	_ =	sdelay $0x3  }
0x33: {  	p0 =	seq.s32 s10, $0x1;
	s10 =	sld [smem:$0x3FBA];
	_ =	sdelay $0x3  }
0x34: {  	[smem:$0x3FBA] =	sst s10  }
0x35: {  	s10 =	sld [smem:$0x3FB9];
	_ =	sdelay $0x3  }
0x36: {  	p1 =	seq.s32 s10, $0x1;
	s10 =	sld [smem:$0x3FBA];
	_ =	sdelay $0x3  }
0x37: {  	[smem:$0x3FBA] =	sst s10  }
0x38: {  	s10 =	sld [smem:$0x3FBB]  }
0x39: {  	_ = 	snop;
	(pc) =	sbr.ind lr, $3  }
0x3a: {  	_ = 	snop  }
0x3b: {  	_ = 	snop  }
0x3c: {  	p2 =	seq.s32 s10, $0x1;
	s10 =	sld [smem:$0x3FBA]  }
0x3d: {  	_ =	shalt  }
0x3e: {  	_ =	shalt  }
0x3f: {  	_ =	shalt  }
0x40: {  	_ =	shalt  }
0x41: {  	_ =	shalt  }
0x42: {  	_ =	shalt  }
0x43: {  	_ =	shalt  }
0x44: {  	_ =	shalt  }
0x45: {  	_ =	shalt  }
0x46: {  	_ =	shalt  }
0x47: {  	_ =	shalt  }
0x48: {  	_ =	shalt  }
0x49: {  	_ =	shalt  }
0x4a: {  	_ =	shalt  }
0x4b: {  	_ =	shalt  }
0x4c: {  	_ =	shalt  }
0x4d: {  	_ =	shalt  }
0x4e: {  	_ =	shalt  }
0x4f: {  	_ =	shalt  }
0x50: {  	_ =	shalt  }
0x51: {  	_ =	shalt  }
0x52: {  	_ =	shalt  }
0x53: {  	_ =	shalt  }
0x54: {  	_ =	shalt  }
0x55: {  	_ =	shalt  }
0x56: {  	_ =	shalt  }
0x57: {  	_ =	shalt  }
0x58: {  	_ =	shalt  }
0x59: {  	_ =	shalt  }
0x5a: {  	_ =	shalt  }
0x5b: {  	_ =	shalt  }
0x5c: {  	_ =	shalt  }
0x5d: {  	_ =	shalt  }
0x5e: {  	_ =	shalt  }
0x5f: {  	_ =	shalt  }
0x60: {  	_ =	shalt  }
0x61: {  	_ =	shalt  }
0x62: {  	_ =	shalt  }
0x63: {  	_ =	shalt  }
0x64: {  	_ =	shalt  }
0x65: {  	_ =	shalt  }
0x66: {  	_ =	shalt  }
0x67: {  	_ =	shalt  }
0x68: {  	_ =	shalt  }
0x69: {  	_ =	shalt  }
0x6a: {  	_ =	shalt  }
0x6b: {  	_ =	shalt  }
0x6c: {  	_ =	shalt  }
0x6d: {  	_ =	shalt  }
0x6e: {  	_ =	shalt  }
0x6f: {  	_ =	shalt  }
0x70: {  	_ =	shalt  }
0x71: {  	_ =	shalt  }
0x72: {  	_ =	shalt  }
0x73: {  	_ =	shalt  }
0x74: {  	_ =	shalt  }
0x75: {  	_ =	shalt  }
0x76: {  	_ =	shalt  }
0x77: {  	_ =	shalt  }
0x78: {  	_ =	shalt  }
0x79: {  	_ =	shalt  }
0x7a: {  	_ =	shalt  }
0x7b: {  	_ =	shalt  }
0x7c: {  	_ =	shalt  }
0x7d: {  	_ =	shalt  }
0x7e: {  	_ =	shalt  }
0x7f: {  	_ =	shalt  }
0x80: {  	_ =	shalt  }
0x81: {  	_ =	shalt  }
0x82: {  	_ =	shalt  }
0x83: {  	_ =	shalt  }
0x84: {  	_ =	shalt  }
0x85: {  	_ =	shalt  }
0x86: {  	_ =	shalt  }
0x87: {  	_ =	shalt  }
.Lfunc_end0:
.L_simem_size_0:
called_computation_lowered:
.L_overlay_start_0:
0x88: {  	s2 =	sld [smem:$0x3FD9]  }
0x89: {  	s3 =	sld [smem:$0x3FFE];
	_ =	sdelay $0x1  }
0x8a: {  	s1 =	srdreg.scid  }
0x8b: {  	s0 =	sand.u32 $0x1, s1  }
0x8c: {  	s18 =	sshll.u32 s0, $0xA;
	s2 =	sadd.s32 s3, s2  }
0x8d: {  	s2 =	sadd.s32 s2, s18  }
0x8e: {  	[smem:$0x3FC6] =	sst s2  }
0x8f: {  	_ = 	snop  }
0x90: {  	s2 =	sld [smem:$0x3FC9]  }
0x91: {  	s19 =	sld [smem:$0x3FC8]  }
0x92: {  	s4 =	sld [smem:$0x3FD0];
	(tm) =	ssettm $0x1  }
0x93: {  	s5 =	sld [smem:$0x3FFB];
	_ =	sdelay $0x3  }
0x94: {  	_ =	strace s5  }
0x95: {  	s5 =	sld [smem:$0x3FFC];
	_ =	sdelay $0x3  }
0x96: {  	_ =	strace s5  }
0x97: {  	s5 =	sld [smem:$0x3FFD];
	_ =	sdelay $0x3  }
0x98: {  	_ =	strace s5  }
0x99: {  	_ =	strace $0x8FFFFFFF  }
0x9a: {  	s20 =	sld [smem:$0x3FDB];
	_ =	sdelay $0x1  }
0x9b: {  	s6 =	simm.s32 $_scs_section_size  }
0x9c: {  	s7 =	simm.s32 $_size__tile_overlayer_lowered;
	s8 =	simm.s32 $_tile_overlayer_lowered  }
0x9d: {  	s23 =	simm.s32 $0x1BFF;
	s22 =	sshll.u32 s8, $0x1;
	s5 =	sadd.s32 s6, s20  }
0x9e: {  	s9 =	simm.s32 $0x0;
	s21 =	sshll.u32 s7, $0x1;
	s7 =	sadd.s32 s22, s5  }
0x9f: {  	[timem:s9], [sflag:s23] =	dma.local [hbm:s7], s21  }
0xa0: {  	_ =	swait.ge [sflag:s23], s21  }
0xa1: {  	s6 =	ssub.s32 $0x0, s21;
	[sflag:s23] =	ssyncset.done $0x0  }
0xa2: {  	[sflag:s23] =	ssyncadd.s32 s6;
	_ =	sdelay $0x1  }
0xa3: {  	s24 =	simm.s32 $0x1B8B  }
0xa4: {  	_ =	swait.ge [sflag:s24], $0x1  }
0xa5: {  	[sflag:s24] =	ssyncset.done $0x0  }
0xa6: {  	s25 =	simm.s32 $0x1B8E;
	[sflag:s24] =	ssyncadd.s32 $0xFFFFFFFF  }
0xa7: {  	s26 =	simm.s32 $execute0_lowered;
	[smem:$0x3FD2] =	sst s25  }
0xa8: {  	s6 =	sshll.u32 s26, $0x1;
	_ =	strace $0x80000046;
	[dreg:$0x1] =	wrdreg $0xFFFFFFFF  }
0xa9: {  	s28 =	simm.s32 $_size_execute0_lowered;
	s5 =	sadd.s32 s5, s6;
	[dreg:$0x0] =	wrdreg $0x0  }
0xaa: {  	s6 =	sshll.u32 s28, $0x1;
	[dreg:$0x2] =	wrdreg s5  }
0xab: {  	[dreg:$0x3] =	wrdreg s6  }
0xac: {  	[dreg:$0x4] =	wrdreg $0xC0  }
0xad: {  	_ =	task [dreg:s9], $0x5FFFF  }
0xae: {  	[dreg:$0x1] =	wrdreg $0xFFFFFFFF  }
0xaf: {  	[dreg:$0x0] =	wrdreg $0x60  }
0xb0: {  	[dreg:$0x2] =	wrdreg s2  }
0xb1: {  	[dreg:$0x3] =	wrdreg s19  }
0xb2: {  	[dreg:$0x4] =	wrdreg s4  }
0xb3: {  	[dreg:$0x5] =	wrdreg $0x9  }
0xb4: {  	_ =	task.clear_ibuf [dreg:s9], $0x6FFFF;
	_ =	strace $0x90000046  }
0xb5: {  	s29 =	simm.s32 $0x9;
	_ =	strace $0x80000048  }
0xb6: {  	_ =	swait.ge [sflag:s29], $0x1  }
0xb7: {  	[sflag:s29] =	ssyncadd.s32 $0xFFFFFFFF  }
0xb8: {  	_ =	strace $0x90000048  }
0xb9: {  	_ =	sfence  }
0xba: {  	s30 =	sld [smem:$0x0];
	_ =	sdelay $0x2  }
0xbb: {  	s31 =	sshll.u32 s1, $0xD;
	s1 =	sshrl.u32 s1, $0x2  }
0xbc: {  	s3 =	sand.u32 $0x4000, s31;
	s1 =	sadd.s32 s1, s30  }
0xbd: {  	s0 =	sor.u32 s3, s0;
	s1 =	sshll.u32 s1, $0x11  }
0xbe: {  	s0 =	sor.u32 s1, s0  }
0xbf: {  	s0 =	sadd.s32 $0x8F2B, s0  }
0xc0: {  	[sflag:s0] =	ssyncadd.remote.s32 $0x1  }
0xc1: {  	_ =	sfence.sel $0xFFFF  }
0xc2: {  	[dreg:$0x0] =	wrdreg $0xFFFFFFFF;
	(pc) =	sbr.abs _section_cstart, $3  }
0xc3: {  	[dreg:$0x1] =	wrdreg $0xFFFFFFFF  }
0xc4: {  	_ =	task.clear_ibuf [dreg:s9], $0x2FFFF;
	_ =	strace $0x9FFFFFFF  }
0xc5: {  	(tm) =	ssettm $0x7FFFFFFF  }
tec
execute0_lowered:
.L_overlay_start_1:
0x0: {  	(tag) =	ssettag $0x1  }
0x1: {  	s0 =	rddreg [dreg:$0x0]  }
0x2: {  	s1 =	rddreg [dreg:$0x2];
	s3 =	simm.s32 $0x0;
	s2 =	srdreg.scid  }
0x3: {  	s25 =	stileid.u32;
	s28 =	simm.s32 $0x400;
	s29 =	simm.s32 $0x2  }
0x4: {  	s30 =	simm.s32 $0x1C700;
	s31 =	simm.s32 $0x1D700;
	[smem:$0x7FF] =	sst s3  }
0x5: {  	s2 =	sand.u32 $0x1, s2;
	s9 =	sshrl.u32 s25, $0x2;
	s4 =	sshll.u32 s25, $0x8  }
0x6: {  	s16 =	sadd.s32 $0x1000, s1;
	s17 =	sadd.s32 $0x2000, s1;
	s19 =	sadd.s32 $0x3000, s1  }
0x7: {  	p0 =	sgt.u32 s25, $0x1;
	s5 =	sshll.u32 s2, $0x7;
	s4 =	sand.u32 $0x300, s4  }
0x8: {  	s6 =	smul.u32 $0xC3800, s9;
	_ =	strace $0x80000047;
	s2 =	ssub.s32 $0x2, s2  }
0x9: {  	s22 =	sshll.u32 s9, $0x11;
	s10 =	sor.u32 $0x4, s9;
	s12 =	sor.u32 $0x8, s9  }
0xa: {  	s18 =	sor.u32 s5, s4;
	s21 =	sshrl.u32 s2, $0x1;
	s11 =	smul.u32 $0xC3800, s10  }
0xb: {  	s10 =	sshll.u32 s10, $0x11;
	s14 =	smul.u32 $0xC3800, s12;
	s12 =	sshll.u32 s12, $0x11  }
0xc: {  	s5 =	sor.u32 s6, s18;
	s2 =	ssub.s32 s2, s21;
	s24 =	sor.u32 s22, s18  }
0xd: {  	s10 =	sor.u32 s18, s10;
	s15 =	sor.u32 s18, s12;
	s21 =	sshrl.u32 s18, $0x3  }
0xe: {  	s23 =	sshrl.u32 s5, $0x3;
	s8 =	sshrl.u32 s24, $0x3;
	s11 =	sor.u32 s18, s11  }
0xf: {  	s13 =	sshrl.u32 s10, $0x3;
	s14 =	sor.u32 s18, s14;
	s20 =	sshrl.u32 s15, $0x3  }
0x10: {  	s24 =	smax.u32 s2, $0x1;
	s2 =	simm.s32 $0x0;
	s4 =	sadd.s32 s0, s23  }
0x11: {  	s5 =	sadd.s32 s1, s8;
	s6 =	sadd.s32 s8, s16;
	s7 =	sadd.s32 s8, s17  }
0x12: {  	s8 =	sadd.s32 s8, s19;
	s26 =	sshrl.u32 s11, $0x3;
	s10 =	sadd.s32 s1, s13  }
0x13: {  	s11 =	sadd.s32 s13, s16;
	s12 =	sadd.s32 s13, s17;
	s14 =	sshrl.u32 s14, $0x3  }
0x14: {  	s13 =	sadd.s32 s13, s19;
	s15 =	sadd.s32 s1, s20;
	s16 =	sadd.s32 s20, s16  }
.Ltmp0:
0x15: {  	s17 =	sadd.s32 s20, s17;
	s18 =	sadd.s32 s20, s19;
	(pc) =	sbr.rel .LBB2_1-.Ltmp0, $4  }
0x16: {  	s1 =	sadd.s32 s21, s1;
	s9 =	sadd.s32 s0, s26;
	s14 =	sadd.s32 s0, s14  }
0x17: {  	s0 =	sadd.s32 s21, s0;
	s20 =	sadd.s32 $0x30000, s1;
	s21 =	sadd.s32 $0x31000, s1  }
0x18: {  	s22 =	sadd.s32 $0x32000, s1;
	s23 =	sadd.s32 $0x33000, s1;
	s0 =	sadd.s32 $0x125400, s0  }
0x19: {  	s26 =	simm.s32 $0x80;
	[dreg:$0x4] =	wrdreg s0;
	s0 =	simm.s32 $0x1  }
.LBB2_34:
0x1a: {  	[tilespmem:s1+$0x10] =	vst v0  }
0x1b: {  	[tilespmem:s1+$0x20] =	vst v1  }
0x1c: {  	[tilespmem:s1+$0x30] =	vst v2  }
0x1d: {  	[tilespmem:s1+$0x40] =	vst v3  }
0x1e: {  	[tilespmem:s1+$0x50] =	vst v4  }
0x1f: {  	[tilespmem:s1+$0x60] =	vst v5  }
0x20: {  	[hbm4b:s23+s26] =	stream.strided.scatter [tilespmem:s31], [sflag:$0x1], $0x1000, s28, s26, $0x38;
	[tilespmem:$0x1E700] =	vst v63  }
.LBB2_35:
0x21: {  	s2 =	sadd.s32 $0x1, s2  }
0x22: {  	_ =	swait.ge [sflag:s0], $0x1000;
	p1 =	sne.s32 s2, s24  }
.Ltmp1:
0x23: {  	[sflag:s0] =	ssyncset.done $0x0;
	(pc) =	sbr.rel @!p1 .LBB2_36-.Ltmp1, $4  }
0x24: {  	[sflag:s0] =	ssyncadd.s32 $0xFFFFF000  }
0x25: {  	_ =	swait.ge [sflag:s0], $0x1000  }
0x26: {  	[sflag:s0] =	ssyncset.done $0x0  }
0x27: {  	[sflag:s0] =	ssyncadd.s32 $0xFFFFF000  }
.LBB2_1:
0x28: {  	s1 =	rddreg [dreg:$0x1];
	s19 =	simm.s32 $0x18700  }
0x29: {  	[tilespmem:s19], [sflag:$0x2] =	stream.linear.gather [hbm4b:s1+s3], $0x4000, $0x38;
	[tilespmem:$0x1E700] =	vst v63  }
0x2a: {  	_ = 	snop  }
0x2b: {  	[tilespmem:s3], [sflag:$0x2] =	stream.strided.gather [hbm4b:s4+s26], $0x18700, s28, s26, $0x38;
	[tilespmem:$0x1E700] =	vst v63  }
0x2c: {  	_ =	swait.ge [sflag:s29], $0x4000  }
0x2d: {  	[sflag:s29] =	ssyncset.done $0x0  }
0x2e: {  	[sflag:s29] =	ssyncadd.s32 $0xFFFFC000  }
0x2f: {  	_ =	swait.ge [sflag:s29], $0x18700  }
0x30: {  	[sflag:s29] =	ssyncset.done $0x0  }
0x31: {  	s25 =	simm.s32 $0x18780;
	[sflag:s29] =	ssyncadd.s32 $0xFFFE7900  }
0x32: {  	v0 =	vld [tilespmem:s25+$0x70]  }
0x33: {  	v1 =	vld [tilespmem:s25+$0xFFFFFF90]  }
0x34: {  	v2 =	vld [tilespmem:s25+$0xFFFFFFA0]  }
0x35: {  	v3 =	vld [tilespmem:s25+$0xFFFFFFB0]  }
0x36: {  	v4 =	vld [tilespmem:s25+$0xFFFFFFC0]  }
0x37: {  	v5 =	vld [tilespmem:s25+$0xFFFFFFD0]  }
0x38: {  	v6 =	vld [tilespmem:s25+$0xFFFFFFE0]  }
0x39: {  	v7 =	vld [tilespmem:s25+$0xFFFFFFF0]  }
0x3a: {  	v8 =	vld [tilespmem:s25+$0x0]  }
0x3b: {  	v9 =	vld [tilespmem:s25+$0x10]  }
0x3c: {  	v10 =	vld [tilespmem:s25+$0x20]  }
0x3d: {  	v11 =	vld [tilespmem:s25+$0x30]  }
0x3e: {  	v12 =	vld [tilespmem:s25+$0x40]  }
0x3f: {  	v13 =	vld [tilespmem:s25+$0x50]  }
0x40: {  	v14 =	vld [tilespmem:s25+$0x60]  }
0x41: {  	v15 =	vld [tilespmem:s25+$0xFFFFFF80]  }
0x42: {  	v0 =	vld.idx.msk [tilespmem:v0+s3+$0x0], $0xffff  }
0x43: {  	v1 =	vld.idx.msk [tilespmem:v1+s3+$0x0], $0xffff  }
0x44: {  	v2 =	vld.idx.msk [tilespmem:v2+s3+$0x0], $0xffff  }
0x45: {  	v3 =	vld.idx.msk [tilespmem:v3+s3+$0x0], $0xffff  }
0x46: {  	v4 =	vld.idx.msk [tilespmem:v4+s3+$0x0], $0xffff  }
0x47: {  	s1 =	simm.s32 $0x1C780;
	v5 =	vld.idx.msk [tilespmem:v5+s3+$0x0], $0xffff  }
0x48: {  	v6 =	vld.idx.msk [tilespmem:v6+s3+$0x0], $0xffff;
	[tilespmem:s1+$0x70] =	vst v0  }
0x49: {  	v7 =	vld.idx.msk [tilespmem:v7+s3+$0x0], $0xffff;
	[tilespmem:s1+$0xFFFFFF90] =	vst v1  }
0x4a: {  	v15 =	vld.idx.msk [tilespmem:v15+s3+$0x0], $0xffff;
	[tilespmem:s1+$0xFFFFFFA0] =	vst v2  }
0x4b: {  	v8 =	vld.idx.msk [tilespmem:v8+s3+$0x0], $0xffff;
	[tilespmem:s1+$0xFFFFFFB0] =	vst v3  }
0x4c: {  	[tilespmem:s1+$0xFFFFFFC0] =	vst v4;
	v0 =	vld.idx.msk [tilespmem:v9+s3+$0x0], $0xffff  }
0x4d: {  	[tilespmem:s1+$0xFFFFFFD0] =	vst v5;
	v1 =	vld.idx.msk [tilespmem:v10+s3+$0x0], $0xffff  }
0x4e: {  	[tilespmem:s1+$0xFFFFFFE0] =	vst v6;
	v2 =	vld.idx.msk [tilespmem:v11+s3+$0x0], $0xffff  }
0x4f: {  	[tilespmem:s1+$0xFFFFFFF0] =	vst v7;
	v3 =	vld.idx.msk [tilespmem:v12+s3+$0x0], $0xffff  }
0x50: {  	[tilespmem:s1+$0xFFFFFF80] =	vst v15;
	v4 =	vld.idx.msk [tilespmem:v13+s3+$0x0], $0xffff  }
0x51: {  	s19 =	simm.s32 $0x18880;
	s25 =	simm.s32 $0x0;
	[tilespmem:s1+$0x0] =	vst v8;
	v5 =	vld.idx.msk [tilespmem:v14+s3+$0x0], $0xffff  }
.LBB2_2:
0x52: {  	v6 =	vld [tilespmem:s19+$0x70];
	s25 =	sadd.s32 $0x100, s25;
	[tilespmem:s1+$0x10] =	vst v0  }
0x53: {  	v0 =	vld [tilespmem:s19+$0xFFFFFF90];
	p1 =	slt.u32 s25, $0xF00;
	[tilespmem:s1+$0x20] =	vst v1  }
0x54: {  	v1 =	vld [tilespmem:s19+$0xFFFFFFA0];
	[tilespmem:s1+$0x30] =	vst v2  }
0x55: {  	v2 =	vld [tilespmem:s19+$0xFFFFFFB0];
	[tilespmem:s1+$0x40] =	vst v3  }
0x56: {  	v3 =	vld [tilespmem:s19+$0xFFFFFFC0];
	[tilespmem:s1+$0x50] =	vst v4  }
0x57: {  	v4 =	vld [tilespmem:s19+$0xFFFFFFD0];
	[tilespmem:s1+$0x60] =	vst v5  }
0x58: {  	v5 =	vld [tilespmem:s19+$0xFFFFFFE0]  }
0x59: {  	v7 =	vld [tilespmem:s19+$0xFFFFFFF0]  }
0x5a: {  	v6 =	vld.idx.msk [tilespmem:v6+s3+$0x0], $0xffff  }
0x5b: {  	v8 =	vld [tilespmem:s19+$0x0]  }
0x5c: {  	v9 =	vld [tilespmem:s19+$0x10]  }
0x5d: {  	v10 =	vld [tilespmem:s19+$0x20]  }
0x5e: {  	v11 =	vld [tilespmem:s19+$0x30]  }
0x5f: {  	s1 =	sadd.s32 $0x100, s1;
	v12 =	vld [tilespmem:s19+$0x40]  }
0x60: {  	v13 =	vld [tilespmem:s19+$0x50];
	[tilespmem:s1+$0x70] =	vst v6  }
0x61: {  	v6 =	vld [tilespmem:s19+$0x60]  }
0x62: {  	v14 =	vld [tilespmem:s19+$0xFFFFFF80]  }
0x63: {  	v0 =	vld.idx.msk [tilespmem:v0+s3+$0x0], $0xffff  }
0x64: {  	v1 =	vld.idx.msk [tilespmem:v1+s3+$0x0], $0xffff  }
0x65: {  	v2 =	vld.idx.msk [tilespmem:v2+s3+$0x0], $0xffff  }
0x66: {  	v3 =	vld.idx.msk [tilespmem:v3+s3+$0x0], $0xffff  }
0x67: {  	v4 =	vld.idx.msk [tilespmem:v4+s3+$0x0], $0xffff  }
0x68: {  	v5 =	vld.idx.msk [tilespmem:v5+s3+$0x0], $0xffff  }
0x69: {  	[tilespmem:s1+$0xFFFFFF90] =	vst v0;
	v7 =	vld.idx.msk [tilespmem:v7+s3+$0x0], $0xffff  }
0x6a: {  	v14 =	vld.idx.msk [tilespmem:v14+s3+$0x0], $0xffff;
	[tilespmem:s1+$0xFFFFFFA0] =	vst v1  }
0x6b: {  	[tilespmem:s1+$0xFFFFFFB0] =	vst v2;
	v8 =	vld.idx.msk [tilespmem:v8+s3+$0x0], $0xffff  }
0x6c: {  	[tilespmem:s1+$0xFFFFFFC0] =	vst v3;
	v0 =	vld.idx.msk [tilespmem:v9+s3+$0x0], $0xffff  }
.Ltmp2:
0x6d: {  	[tilespmem:s1+$0xFFFFFFD0] =	vst v4;
	v1 =	vld.idx.msk [tilespmem:v10+s3+$0x0], $0xffff;
	(pc) =	sbr.rel @p1 .LBB2_2-.Ltmp2, $4  }
0x6e: {  	[tilespmem:s1+$0xFFFFFFE0] =	vst v5;
	v2 =	vld.idx.msk [tilespmem:v11+s3+$0x0], $0xffff  }
0x6f: {  	[tilespmem:s1+$0xFFFFFFF0] =	vst v7;
	v3 =	vld.idx.msk [tilespmem:v12+s3+$0x0], $0xffff  }
0x70: {  	[tilespmem:s1+$0xFFFFFF80] =	vst v14;
	v4 =	vld.idx.msk [tilespmem:v13+s3+$0x0], $0xffff  }
0x71: {  	s19 =	sadd.s32 $0x100, s19;
	[tilespmem:s1+$0x0] =	vst v8;
	v5 =	vld.idx.msk [tilespmem:v6+s3+$0x0], $0xffff  }
0x72: {  	[tilespmem:s1+$0x10] =	vst v0  }
0x73: {  	[tilespmem:s1+$0x20] =	vst v1  }
0x74: {  	[tilespmem:s1+$0x30] =	vst v2  }
0x75: {  	[tilespmem:s1+$0x40] =	vst v3  }
0x76: {  	[tilespmem:s1+$0x50] =	vst v4  }
0x77: {  	s25 =	simm.s32 $0x197F0;
	[tilespmem:s1+$0x60] =	vst v5  }
0x78: {  	[hbm4b:s5+s26] =	stream.strided.scatter [tilespmem:s30], [sflag:$0x1], $0x1000, s28, s26, $0x38;
	[tilespmem:$0x1E700] =	vst v63  }
0x79: {  	v0 =	vld [tilespmem:s25+$0x0]  }
0x7a: {  	v1 =	vld [tilespmem:s25+$0xFFFFFF20]  }
0x7b: {  	v2 =	vld [tilespmem:s25+$0xFFFFFF30]  }
0x7c: {  	v3 =	vld [tilespmem:s25+$0xFFFFFF40]  }
0x7d: {  	v4 =	vld [tilespmem:s25+$0xFFFFFF50]  }
0x7e: {  	v5 =	vld [tilespmem:s25+$0xFFFFFF60]  }
0x7f: {  	v6 =	vld [tilespmem:s25+$0xFFFFFF70]  }
0x80: {  	v7 =	vld [tilespmem:s25+$0xFFFFFF80]  }
0x81: {  	v8 =	vld [tilespmem:s25+$0xFFFFFF90]  }
0x82: {  	v9 =	vld [tilespmem:s25+$0xFFFFFFA0]  }
0x83: {  	v10 =	vld [tilespmem:s25+$0xFFFFFFB0]  }
0x84: {  	v11 =	vld [tilespmem:s25+$0xFFFFFFC0]  }
0x85: {  	v12 =	vld [tilespmem:s25+$0xFFFFFFD0]  }
0x86: {  	v13 =	vld [tilespmem:s25+$0xFFFFFFE0]  }
0x87: {  	v14 =	vld [tilespmem:s25+$0xFFFFFFF0]  }
0x88: {  	v15 =	vld [tilespmem:s25+$0xFFFFFF10]  }
0x89: {  	v0 =	vld.idx.msk [tilespmem:v0+s3+$0x0], $0xffff  }
0x8a: {  	v1 =	vld.idx.msk [tilespmem:v1+s3+$0x0], $0xffff  }
0x8b: {  	v2 =	vld.idx.msk [tilespmem:v2+s3+$0x0], $0xffff  }
0x8c: {  	v3 =	vld.idx.msk [tilespmem:v3+s3+$0x0], $0xffff  }
0x8d: {  	v4 =	vld.idx.msk [tilespmem:v4+s3+$0x0], $0xffff  }
0x8e: {  	s1 =	simm.s32 $0x1D780;
	v5 =	vld.idx.msk [tilespmem:v5+s3+$0x0], $0xffff  }
0x8f: {  	v6 =	vld.idx.msk [tilespmem:v6+s3+$0x0], $0xffff;
	[tilespmem:s1+$0x70] =	vst v0  }
0x90: {  	v7 =	vld.idx.msk [tilespmem:v7+s3+$0x0], $0xffff;
	[tilespmem:s1+$0xFFFFFF90] =	vst v1  }
0x91: {  	v15 =	vld.idx.msk [tilespmem:v15+s3+$0x0], $0xffff;
	[tilespmem:s1+$0xFFFFFFA0] =	vst v2  }
0x92: {  	v8 =	vld.idx.msk [tilespmem:v8+s3+$0x0], $0xffff;
	[tilespmem:s1+$0xFFFFFFB0] =	vst v3  }
0x93: {  	[tilespmem:s1+$0xFFFFFFC0] =	vst v4;
	v0 =	vld.idx.msk [tilespmem:v9+s3+$0x0], $0xffff  }
0x94: {  	[tilespmem:s1+$0xFFFFFFD0] =	vst v5;
	v1 =	vld.idx.msk [tilespmem:v10+s3+$0x0], $0xffff  }
0x95: {  	[tilespmem:s1+$0xFFFFFFE0] =	vst v6;
	v2 =	vld.idx.msk [tilespmem:v11+s3+$0x0], $0xffff  }
0x96: {  	[tilespmem:s1+$0xFFFFFFF0] =	vst v7;
	v3 =	vld.idx.msk [tilespmem:v12+s3+$0x0], $0xffff  }
0x97: {  	[tilespmem:s1+$0xFFFFFF80] =	vst v15;
	v4 =	vld.idx.msk [tilespmem:v13+s3+$0x0], $0xffff  }
0x98: {  	s19 =	simm.s32 $0x198F0;
	s25 =	simm.s32 $0x0;
	[tilespmem:s1+$0x0] =	vst v8;
	v5 =	vld.idx.msk [tilespmem:v14+s3+$0x0], $0xffff  }
.LBB2_4:
0x99: {  	v6 =	vld [tilespmem:s19+$0x0];
	s25 =	sadd.s32 $0x100, s25;
	[tilespmem:s1+$0x10] =	vst v0  }
0x9a: {  	v0 =	vld [tilespmem:s19+$0xFFFFFF20];
	p1 =	slt.u32 s25, $0xF00;
	[tilespmem:s1+$0x20] =	vst v1  }
0x9b: {  	v1 =	vld [tilespmem:s19+$0xFFFFFF30];
	[tilespmem:s1+$0x30] =	vst v2  }
0x9c: {  	v2 =	vld [tilespmem:s19+$0xFFFFFF40];
	[tilespmem:s1+$0x40] =	vst v3  }
0x9d: {  	v3 =	vld [tilespmem:s19+$0xFFFFFF50];
	[tilespmem:s1+$0x50] =	vst v4  }
0x9e: {  	v4 =	vld [tilespmem:s19+$0xFFFFFF60];
	[tilespmem:s1+$0x60] =	vst v5  }
0x9f: {  	v5 =	vld [tilespmem:s19+$0xFFFFFF70]  }
0xa0: {  	v7 =	vld [tilespmem:s19+$0xFFFFFF80]  }
0xa1: {  	v6 =	vld.idx.msk [tilespmem:v6+s3+$0x0], $0xffff  }
0xa2: {  	v8 =	vld [tilespmem:s19+$0xFFFFFF90]  }
0xa3: {  	v9 =	vld [tilespmem:s19+$0xFFFFFFA0]  }
0xa4: {  	v10 =	vld [tilespmem:s19+$0xFFFFFFB0]  }
0xa5: {  	v11 =	vld [tilespmem:s19+$0xFFFFFFC0]  }
0xa6: {  	s1 =	sadd.s32 $0x100, s1;
	v12 =	vld [tilespmem:s19+$0xFFFFFFD0]  }
0xa7: {  	v13 =	vld [tilespmem:s19+$0xFFFFFFE0];
	[tilespmem:s1+$0x70] =	vst v6  }
0xa8: {  	v6 =	vld [tilespmem:s19+$0xFFFFFFF0]  }
0xa9: {  	v14 =	vld [tilespmem:s19+$0xFFFFFF10]  }
0xaa: {  	v0 =	vld.idx.msk [tilespmem:v0+s3+$0x0], $0xffff  }
0xab: {  	v1 =	vld.idx.msk [tilespmem:v1+s3+$0x0], $0xffff  }
0xac: {  	v2 =	vld.idx.msk [tilespmem:v2+s3+$0x0], $0xffff  }
0xad: {  	v3 =	vld.idx.msk [tilespmem:v3+s3+$0x0], $0xffff  }
0xae: {  	v4 =	vld.idx.msk [tilespmem:v4+s3+$0x0], $0xffff  }
0xaf: {  	v5 =	vld.idx.msk [tilespmem:v5+s3+$0x0], $0xffff  }
0xb0: {  	[tilespmem:s1+$0xFFFFFF90] =	vst v0;
	v7 =	vld.idx.msk [tilespmem:v7+s3+$0x0], $0xffff  }
0xb1: {  	v14 =	vld.idx.msk [tilespmem:v14+s3+$0x0], $0xffff;
	[tilespmem:s1+$0xFFFFFFA0] =	vst v1  }
0xb2: {  	[tilespmem:s1+$0xFFFFFFB0] =	vst v2;
	v8 =	vld.idx.msk [tilespmem:v8+s3+$0x0], $0xffff  }
0xb3: {  	[tilespmem:s1+$0xFFFFFFC0] =	vst v3;
	v0 =	vld.idx.msk [tilespmem:v9+s3+$0x0], $0xffff  }
.Ltmp3:
0xb4: {  	[tilespmem:s1+$0xFFFFFFD0] =	vst v4;
	v1 =	vld.idx.msk [tilespmem:v10+s3+$0x0], $0xffff;
	(pc) =	sbr.rel @p1 .LBB2_4-.Ltmp3, $4  }
0xb5: {  	[tilespmem:s1+$0xFFFFFFE0] =	vst v5;
	v2 =	vld.idx.msk [tilespmem:v11+s3+$0x0], $0xffff  }
0xb6: {  	[tilespmem:s1+$0xFFFFFFF0] =	vst v7;
	v3 =	vld.idx.msk [tilespmem:v12+s3+$0x0], $0xffff  }
0xb7: {  	[tilespmem:s1+$0xFFFFFF80] =	vst v14;
	v4 =	vld.idx.msk [tilespmem:v13+s3+$0x0], $0xffff  }
0xb8: {  	s19 =	sadd.s32 $0x100, s19;
	[tilespmem:s1+$0x0] =	vst v8;
	v5 =	vld.idx.msk [tilespmem:v6+s3+$0x0], $0xffff  }
0xb9: {  	[tilespmem:s1+$0x10] =	vst v0  }
0xba: {  	[tilespmem:s1+$0x20] =	vst v1  }
0xbb: {  	[tilespmem:s1+$0x30] =	vst v2  }
0xbc: {  	[tilespmem:s1+$0x40] =	vst v3  }
0xbd: {  	[tilespmem:s1+$0x50] =	vst v4  }
0xbe: {  	[tilespmem:s1+$0x60] =	vst v5  }
0xbf: {  	[hbm4b:s6+s26] =	stream.strided.scatter [tilespmem:s31], [sflag:$0x1], $0x1000, s28, s26, $0x38;
	[tilespmem:$0x1E700] =	vst v63  }
0xc0: {  	_ =	swait.ge [sflag:s0], $0x1000  }
0xc1: {  	[sflag:s0] =	ssyncset.done $0x0  }
0xc2: {  	s25 =	simm.s32 $0x1A7F0;
	[sflag:s0] =	ssyncadd.s32 $0xFFFFF000  }
0xc3: {  	v0 =	vld [tilespmem:s25+$0x0]  }
0xc4: {  	v1 =	vld [tilespmem:s25+$0xFFFFFF20]  }
0xc5: {  	v2 =	vld [tilespmem:s25+$0xFFFFFF30]  }
0xc6: {  	v3 =	vld [tilespmem:s25+$0xFFFFFF40]  }
0xc7: {  	v4 =	vld [tilespmem:s25+$0xFFFFFF50]  }
0xc8: {  	v5 =	vld [tilespmem:s25+$0xFFFFFF60]  }
0xc9: {  	v6 =	vld [tilespmem:s25+$0xFFFFFF70]  }
0xca: {  	v7 =	vld [tilespmem:s25+$0xFFFFFF80]  }
0xcb: {  	v8 =	vld [tilespmem:s25+$0xFFFFFF90]  }
0xcc: {  	v9 =	vld [tilespmem:s25+$0xFFFFFFA0]  }
0xcd: {  	v10 =	vld [tilespmem:s25+$0xFFFFFFB0]  }
0xce: {  	v11 =	vld [tilespmem:s25+$0xFFFFFFC0]  }
0xcf: {  	v12 =	vld [tilespmem:s25+$0xFFFFFFD0]  }
0xd0: {  	v13 =	vld [tilespmem:s25+$0xFFFFFFE0]  }
0xd1: {  	v14 =	vld [tilespmem:s25+$0xFFFFFFF0]  }
0xd2: {  	v15 =	vld [tilespmem:s25+$0xFFFFFF10]  }
0xd3: {  	v0 =	vld.idx.msk [tilespmem:v0+s3+$0x0], $0xffff  }
0xd4: {  	v1 =	vld.idx.msk [tilespmem:v1+s3+$0x0], $0xffff  }
0xd5: {  	v2 =	vld.idx.msk [tilespmem:v2+s3+$0x0], $0xffff  }
0xd6: {  	v3 =	vld.idx.msk [tilespmem:v3+s3+$0x0], $0xffff  }
0xd7: {  	v4 =	vld.idx.msk [tilespmem:v4+s3+$0x0], $0xffff  }
0xd8: {  	s1 =	simm.s32 $0x1C780;
	v5 =	vld.idx.msk [tilespmem:v5+s3+$0x0], $0xffff  }
0xd9: {  	v6 =	vld.idx.msk [tilespmem:v6+s3+$0x0], $0xffff;
	[tilespmem:s1+$0x70] =	vst v0  }
0xda: {  	v7 =	vld.idx.msk [tilespmem:v7+s3+$0x0], $0xffff;
	[tilespmem:s1+$0xFFFFFF90] =	vst v1  }
0xdb: {  	v15 =	vld.idx.msk [tilespmem:v15+s3+$0x0], $0xffff;
	[tilespmem:s1+$0xFFFFFFA0] =	vst v2  }
0xdc: {  	v8 =	vld.idx.msk [tilespmem:v8+s3+$0x0], $0xffff;
	[tilespmem:s1+$0xFFFFFFB0] =	vst v3  }
0xdd: {  	[tilespmem:s1+$0xFFFFFFC0] =	vst v4;
	v0 =	vld.idx.msk [tilespmem:v9+s3+$0x0], $0xffff  }
0xde: {  	[tilespmem:s1+$0xFFFFFFD0] =	vst v5;
	v1 =	vld.idx.msk [tilespmem:v10+s3+$0x0], $0xffff  }
0xdf: {  	[tilespmem:s1+$0xFFFFFFE0] =	vst v6;
	v2 =	vld.idx.msk [tilespmem:v11+s3+$0x0], $0xffff  }
0xe0: {  	[tilespmem:s1+$0xFFFFFFF0] =	vst v7;
	v3 =	vld.idx.msk [tilespmem:v12+s3+$0x0], $0xffff  }
0xe1: {  	[tilespmem:s1+$0xFFFFFF80] =	vst v15;
	v4 =	vld.idx.msk [tilespmem:v13+s3+$0x0], $0xffff  }
0xe2: {  	s19 =	simm.s32 $0x1A8F0;
	s25 =	simm.s32 $0x0;
	[tilespmem:s1+$0x0] =	vst v8;
	v5 =	vld.idx.msk [tilespmem:v14+s3+$0x0], $0xffff  }
.LBB2_6:
0xe3: {  	v6 =	vld [tilespmem:s19+$0x0];
	s25 =	sadd.s32 $0x100, s25;
	[tilespmem:s1+$0x10] =	vst v0  }
0xe4: {  	v0 =	vld [tilespmem:s19+$0xFFFFFF20];
	p1 =	slt.u32 s25, $0xF00;
	[tilespmem:s1+$0x20] =	vst v1  }
0xe5: {  	v1 =	vld [tilespmem:s19+$0xFFFFFF30];
	[tilespmem:s1+$0x30] =	vst v2  }
0xe6: {  	v2 =	vld [tilespmem:s19+$0xFFFFFF40];
	[tilespmem:s1+$0x40] =	vst v3  }
0xe7: {  	v3 =	vld [tilespmem:s19+$0xFFFFFF50];
	[tilespmem:s1+$0x50] =	vst v4  }
0xe8: {  	v4 =	vld [tilespmem:s19+$0xFFFFFF60];
	[tilespmem:s1+$0x60] =	vst v5  }
0xe9: {  	v5 =	vld [tilespmem:s19+$0xFFFFFF70]  }
0xea: {  	v7 =	vld [tilespmem:s19+$0xFFFFFF80]  }
0xeb: {  	v6 =	vld.idx.msk [tilespmem:v6+s3+$0x0], $0xffff  }
0xec: {  	v8 =	vld [tilespmem:s19+$0xFFFFFF90]  }
0xed: {  	v9 =	vld [tilespmem:s19+$0xFFFFFFA0]  }
0xee: {  	v10 =	vld [tilespmem:s19+$0xFFFFFFB0]  }
0xef: {  	v11 =	vld [tilespmem:s19+$0xFFFFFFC0]  }
0xf0: {  	s1 =	sadd.s32 $0x100, s1;
	v12 =	vld [tilespmem:s19+$0xFFFFFFD0]  }
0xf1: {  	v13 =	vld [tilespmem:s19+$0xFFFFFFE0];
	[tilespmem:s1+$0x70] =	vst v6  }
0xf2: {  	v6 =	vld [tilespmem:s19+$0xFFFFFFF0]  }
0xf3: {  	v14 =	vld [tilespmem:s19+$0xFFFFFF10]  }
0xf4: {  	v0 =	vld.idx.msk [tilespmem:v0+s3+$0x0], $0xffff  }
0xf5: {  	v1 =	vld.idx.msk [tilespmem:v1+s3+$0x0], $0xffff  }
0xf6: {  	v2 =	vld.idx.msk [tilespmem:v2+s3+$0x0], $0xffff  }
0xf7: {  	v3 =	vld.idx.msk [tilespmem:v3+s3+$0x0], $0xffff  }
0xf8: {  	v4 =	vld.idx.msk [tilespmem:v4+s3+$0x0], $0xffff  }
0xf9: {  	v5 =	vld.idx.msk [tilespmem:v5+s3+$0x0], $0xffff  }
0xfa: {  	[tilespmem:s1+$0xFFFFFF90] =	vst v0;
	v7 =	vld.idx.msk [tilespmem:v7+s3+$0x0], $0xffff  }
0xfb: {  	v14 =	vld.idx.msk [tilespmem:v14+s3+$0x0], $0xffff;
	[tilespmem:s1+$0xFFFFFFA0] =	vst v1  }
0xfc: {  	[tilespmem:s1+$0xFFFFFFB0] =	vst v2;
	v8 =	vld.idx.msk [tilespmem:v8+s3+$0x0], $0xffff  }
0xfd: {  	[tilespmem:s1+$0xFFFFFFC0] =	vst v3;
	v0 =	vld.idx.msk [tilespmem:v9+s3+$0x0], $0xffff  }
.Ltmp4:
0xfe: {  	[tilespmem:s1+$0xFFFFFFD0] =	vst v4;
	v1 =	vld.idx.msk [tilespmem:v10+s3+$0x0], $0xffff;
	(pc) =	sbr.rel @p1 .LBB2_6-.Ltmp4, $4  }
0xff: {  	[tilespmem:s1+$0xFFFFFFE0] =	vst v5;
	v2 =	vld.idx.msk [tilespmem:v11+s3+$0x0], $0xffff  }
0x100: {  	[tilespmem:s1+$0xFFFFFFF0] =	vst v7;
	v3 =	vld.idx.msk [tilespmem:v12+s3+$0x0], $0xffff  }
0x101: {  	[tilespmem:s1+$0xFFFFFF80] =	vst v14;
	v4 =	vld.idx.msk [tilespmem:v13+s3+$0x0], $0xffff  }
0x102: {  	s19 =	sadd.s32 $0x100, s19;
	[tilespmem:s1+$0x0] =	vst v8;
	v5 =	vld.idx.msk [tilespmem:v6+s3+$0x0], $0xffff  }
0x103: {  	[tilespmem:s1+$0x10] =	vst v0  }
0x104: {  	[tilespmem:s1+$0x20] =	vst v1  }
0x105: {  	[tilespmem:s1+$0x30] =	vst v2  }
0x106: {  	[tilespmem:s1+$0x40] =	vst v3  }
0x107: {  	[tilespmem:s1+$0x50] =	vst v4  }
0x108: {  	[tilespmem:s1+$0x60] =	vst v5  }
0x109: {  	[hbm4b:s7+s26] =	stream.strided.scatter [tilespmem:s30], [sflag:$0x1], $0x1000, s28, s26, $0x38;
	[tilespmem:$0x1E700] =	vst v63  }
0x10a: {  	_ =	swait.ge [sflag:s0], $0x1000  }
0x10b: {  	[sflag:s0] =	ssyncset.done $0x0  }
0x10c: {  	s25 =	simm.s32 $0x1B7F0;
	[sflag:s0] =	ssyncadd.s32 $0xFFFFF000  }
0x10d: {  	v0 =	vld [tilespmem:s25+$0x0]  }
0x10e: {  	v1 =	vld [tilespmem:s25+$0xFFFFFF20]  }
0x10f: {  	v2 =	vld [tilespmem:s25+$0xFFFFFF30]  }
0x110: {  	v3 =	vld [tilespmem:s25+$0xFFFFFF40]  }
0x111: {  	v4 =	vld [tilespmem:s25+$0xFFFFFF50]  }
0x112: {  	v5 =	vld [tilespmem:s25+$0xFFFFFF60]  }
0x113: {  	v6 =	vld [tilespmem:s25+$0xFFFFFF70]  }
0x114: {  	v7 =	vld [tilespmem:s25+$0xFFFFFF80]  }
0x115: {  	v8 =	vld [tilespmem:s25+$0xFFFFFF90]  }
0x116: {  	v9 =	vld [tilespmem:s25+$0xFFFFFFA0]  }
0x117: {  	v10 =	vld [tilespmem:s25+$0xFFFFFFB0]  }
0x118: {  	v11 =	vld [tilespmem:s25+$0xFFFFFFC0]  }
0x119: {  	v12 =	vld [tilespmem:s25+$0xFFFFFFD0]  }
0x11a: {  	v13 =	vld [tilespmem:s25+$0xFFFFFFE0]  }
0x11b: {  	v14 =	vld [tilespmem:s25+$0xFFFFFFF0]  }
0x11c: {  	v15 =	vld [tilespmem:s25+$0xFFFFFF10]  }
0x11d: {  	v0 =	vld.idx.msk [tilespmem:v0+s3+$0x0], $0xffff  }
0x11e: {  	v1 =	vld.idx.msk [tilespmem:v1+s3+$0x0], $0xffff  }
0x11f: {  	v2 =	vld.idx.msk [tilespmem:v2+s3+$0x0], $0xffff  }
0x120: {  	v3 =	vld.idx.msk [tilespmem:v3+s3+$0x0], $0xffff  }
0x121: {  	v4 =	vld.idx.msk [tilespmem:v4+s3+$0x0], $0xffff  }
0x122: {  	s1 =	simm.s32 $0x1D780;
	v5 =	vld.idx.msk [tilespmem:v5+s3+$0x0], $0xffff  }
0x123: {  	v6 =	vld.idx.msk [tilespmem:v6+s3+$0x0], $0xffff;
	[tilespmem:s1+$0x70] =	vst v0  }
0x124: {  	v7 =	vld.idx.msk [tilespmem:v7+s3+$0x0], $0xffff;
	[tilespmem:s1+$0xFFFFFF90] =	vst v1  }
0x125: {  	v15 =	vld.idx.msk [tilespmem:v15+s3+$0x0], $0xffff;
	[tilespmem:s1+$0xFFFFFFA0] =	vst v2  }
0x126: {  	v8 =	vld.idx.msk [tilespmem:v8+s3+$0x0], $0xffff;
	[tilespmem:s1+$0xFFFFFFB0] =	vst v3  }
0x127: {  	[tilespmem:s1+$0xFFFFFFC0] =	vst v4;
	v0 =	vld.idx.msk [tilespmem:v9+s3+$0x0], $0xffff  }
0x128: {  	[tilespmem:s1+$0xFFFFFFD0] =	vst v5;
	v1 =	vld.idx.msk [tilespmem:v10+s3+$0x0], $0xffff  }
0x129: {  	[tilespmem:s1+$0xFFFFFFE0] =	vst v6;
	v2 =	vld.idx.msk [tilespmem:v11+s3+$0x0], $0xffff  }
0x12a: {  	[tilespmem:s1+$0xFFFFFFF0] =	vst v7;
	v3 =	vld.idx.msk [tilespmem:v12+s3+$0x0], $0xffff  }
0x12b: {  	[tilespmem:s1+$0xFFFFFF80] =	vst v15;
	v4 =	vld.idx.msk [tilespmem:v13+s3+$0x0], $0xffff  }
0x12c: {  	s19 =	simm.s32 $0x1B8F0;
	s25 =	simm.s32 $0x0;
	[tilespmem:s1+$0x0] =	vst v8;
	v5 =	vld.idx.msk [tilespmem:v14+s3+$0x0], $0xffff  }
.LBB2_8:
0x12d: {  	v6 =	vld [tilespmem:s19+$0x0];
	s25 =	sadd.s32 $0x100, s25;
	[tilespmem:s1+$0x10] =	vst v0  }
0x12e: {  	v0 =	vld [tilespmem:s19+$0xFFFFFF20];
	p1 =	slt.u32 s25, $0xF00;
	[tilespmem:s1+$0x20] =	vst v1  }
0x12f: {  	v1 =	vld [tilespmem:s19+$0xFFFFFF30];
	[tilespmem:s1+$0x30] =	vst v2  }
0x130: {  	v2 =	vld [tilespmem:s19+$0xFFFFFF40];
	[tilespmem:s1+$0x40] =	vst v3  }
0x131: {  	v3 =	vld [tilespmem:s19+$0xFFFFFF50];
	[tilespmem:s1+$0x50] =	vst v4  }
0x132: {  	v4 =	vld [tilespmem:s19+$0xFFFFFF60];
	[tilespmem:s1+$0x60] =	vst v5  }
0x133: {  	v5 =	vld [tilespmem:s19+$0xFFFFFF70]  }
0x134: {  	v7 =	vld [tilespmem:s19+$0xFFFFFF80]  }
0x135: {  	v6 =	vld.idx.msk [tilespmem:v6+s3+$0x0], $0xffff  }
0x136: {  	v8 =	vld [tilespmem:s19+$0xFFFFFF90]  }
0x137: {  	v9 =	vld [tilespmem:s19+$0xFFFFFFA0]  }
0x138: {  	v10 =	vld [tilespmem:s19+$0xFFFFFFB0]  }
0x139: {  	v11 =	vld [tilespmem:s19+$0xFFFFFFC0]  }
0x13a: {  	s1 =	sadd.s32 $0x100, s1;
	v12 =	vld [tilespmem:s19+$0xFFFFFFD0]  }
0x13b: {  	v13 =	vld [tilespmem:s19+$0xFFFFFFE0];
	[tilespmem:s1+$0x70] =	vst v6  }
0x13c: {  	v6 =	vld [tilespmem:s19+$0xFFFFFFF0]  }
0x13d: {  	v14 =	vld [tilespmem:s19+$0xFFFFFF10]  }
0x13e: {  	v0 =	vld.idx.msk [tilespmem:v0+s3+$0x0], $0xffff  }
0x13f: {  	v1 =	vld.idx.msk [tilespmem:v1+s3+$0x0], $0xffff  }
0x140: {  	v2 =	vld.idx.msk [tilespmem:v2+s3+$0x0], $0xffff  }
0x141: {  	v3 =	vld.idx.msk [tilespmem:v3+s3+$0x0], $0xffff  }
0x142: {  	v4 =	vld.idx.msk [tilespmem:v4+s3+$0x0], $0xffff  }
0x143: {  	v5 =	vld.idx.msk [tilespmem:v5+s3+$0x0], $0xffff  }
0x144: {  	[tilespmem:s1+$0xFFFFFF90] =	vst v0;
	v7 =	vld.idx.msk [tilespmem:v7+s3+$0x0], $0xffff  }
0x145: {  	v14 =	vld.idx.msk [tilespmem:v14+s3+$0x0], $0xffff;
	[tilespmem:s1+$0xFFFFFFA0] =	vst v1  }
0x146: {  	[tilespmem:s1+$0xFFFFFFB0] =	vst v2;
	v8 =	vld.idx.msk [tilespmem:v8+s3+$0x0], $0xffff  }
0x147: {  	[tilespmem:s1+$0xFFFFFFC0] =	vst v3;
	v0 =	vld.idx.msk [tilespmem:v9+s3+$0x0], $0xffff  }
.Ltmp5:
0x148: {  	[tilespmem:s1+$0xFFFFFFD0] =	vst v4;
	v1 =	vld.idx.msk [tilespmem:v10+s3+$0x0], $0xffff;
	(pc) =	sbr.rel @p1 .LBB2_8-.Ltmp5, $4  }
0x149: {  	[tilespmem:s1+$0xFFFFFFE0] =	vst v5;
	v2 =	vld.idx.msk [tilespmem:v11+s3+$0x0], $0xffff  }
0x14a: {  	[tilespmem:s1+$0xFFFFFFF0] =	vst v7;
	v3 =	vld.idx.msk [tilespmem:v12+s3+$0x0], $0xffff  }
0x14b: {  	[tilespmem:s1+$0xFFFFFF80] =	vst v14;
	v4 =	vld.idx.msk [tilespmem:v13+s3+$0x0], $0xffff  }
0x14c: {  	s19 =	sadd.s32 $0x100, s19;
	[tilespmem:s1+$0x0] =	vst v8;
	v5 =	vld.idx.msk [tilespmem:v6+s3+$0x0], $0xffff  }
0x14d: {  	[tilespmem:s1+$0x10] =	vst v0  }
0x14e: {  	[tilespmem:s1+$0x20] =	vst v1  }
0x14f: {  	[tilespmem:s1+$0x30] =	vst v2  }
0x150: {  	[tilespmem:s1+$0x40] =	vst v3  }
0x151: {  	[tilespmem:s1+$0x50] =	vst v4  }
0x152: {  	[tilespmem:s1+$0x60] =	vst v5  }
0x153: {  	[hbm4b:s8+s26] =	stream.strided.scatter [tilespmem:s31], [sflag:$0x1], $0x1000, s28, s26, $0x38;
	[tilespmem:$0x1E700] =	vst v63  }
0x154: {  	_ = 	snop  }
0x155: {  	[tilespmem:s3], [sflag:$0x2] =	stream.strided.gather [hbm4b:s9+s26], $0x18700, s28, s26, $0x38;
	[tilespmem:$0x1E700] =	vst v63  }
0x156: {  	_ =	swait.ge [sflag:s0], $0x1000  }
0x157: {  	[sflag:s0] =	ssyncset.done $0x0  }
0x158: {  	[sflag:s0] =	ssyncadd.s32 $0xFFFFF000  }
0x159: {  	_ =	swait.ge [sflag:s0], $0x1000  }
0x15a: {  	[sflag:s0] =	ssyncset.done $0x0  }
0x15b: {  	[sflag:s0] =	ssyncadd.s32 $0xFFFFF000  }
0x15c: {  	_ =	swait.ge [sflag:s29], $0x18700  }
0x15d: {  	[sflag:s29] =	ssyncset.done $0x0  }
0x15e: {  	s25 =	simm.s32 $0x18780;
	[sflag:s29] =	ssyncadd.s32 $0xFFFE7900  }
0x15f: {  	v0 =	vld [tilespmem:s25+$0x70]  }
0x160: {  	v1 =	vld [tilespmem:s25+$0xFFFFFF90]  }
0x161: {  	v2 =	vld [tilespmem:s25+$0xFFFFFFA0]  }
0x162: {  	v3 =	vld [tilespmem:s25+$0xFFFFFFB0]  }
0x163: {  	v4 =	vld [tilespmem:s25+$0xFFFFFFC0]  }
0x164: {  	v5 =	vld [tilespmem:s25+$0xFFFFFFD0]  }
0x165: {  	v6 =	vld [tilespmem:s25+$0xFFFFFFE0]  }
0x166: {  	v7 =	vld [tilespmem:s25+$0xFFFFFFF0]  }
0x167: {  	v8 =	vld [tilespmem:s25+$0x0]  }
0x168: {  	v9 =	vld [tilespmem:s25+$0x10]  }
0x169: {  	v10 =	vld [tilespmem:s25+$0x20]  }
0x16a: {  	v11 =	vld [tilespmem:s25+$0x30]  }
0x16b: {  	v12 =	vld [tilespmem:s25+$0x40]  }
0x16c: {  	v13 =	vld [tilespmem:s25+$0x50]  }
0x16d: {  	v14 =	vld [tilespmem:s25+$0x60]  }
0x16e: {  	v15 =	vld [tilespmem:s25+$0xFFFFFF80]  }
0x16f: {  	v0 =	vld.idx.msk [tilespmem:v0+s3+$0x0], $0xffff  }
0x170: {  	v1 =	vld.idx.msk [tilespmem:v1+s3+$0x0], $0xffff  }
0x171: {  	v2 =	vld.idx.msk [tilespmem:v2+s3+$0x0], $0xffff  }
0x172: {  	v3 =	vld.idx.msk [tilespmem:v3+s3+$0x0], $0xffff  }
0x173: {  	v4 =	vld.idx.msk [tilespmem:v4+s3+$0x0], $0xffff  }
0x174: {  	s1 =	simm.s32 $0x1C780;
	v5 =	vld.idx.msk [tilespmem:v5+s3+$0x0], $0xffff  }
0x175: {  	v6 =	vld.idx.msk [tilespmem:v6+s3+$0x0], $0xffff;
	[tilespmem:s1+$0x70] =	vst v0  }
0x176: {  	v7 =	vld.idx.msk [tilespmem:v7+s3+$0x0], $0xffff;
	[tilespmem:s1+$0xFFFFFF90] =	vst v1  }
0x177: {  	v15 =	vld.idx.msk [tilespmem:v15+s3+$0x0], $0xffff;
	[tilespmem:s1+$0xFFFFFFA0] =	vst v2  }
0x178: {  	v8 =	vld.idx.msk [tilespmem:v8+s3+$0x0], $0xffff;
	[tilespmem:s1+$0xFFFFFFB0] =	vst v3  }
0x179: {  	[tilespmem:s1+$0xFFFFFFC0] =	vst v4;
	v0 =	vld.idx.msk [tilespmem:v9+s3+$0x0], $0xffff  }
0x17a: {  	[tilespmem:s1+$0xFFFFFFD0] =	vst v5;
	v1 =	vld.idx.msk [tilespmem:v10+s3+$0x0], $0xffff  }
0x17b: {  	[tilespmem:s1+$0xFFFFFFE0] =	vst v6;
	v2 =	vld.idx.msk [tilespmem:v11+s3+$0x0], $0xffff  }
0x17c: {  	[tilespmem:s1+$0xFFFFFFF0] =	vst v7;
	v3 =	vld.idx.msk [tilespmem:v12+s3+$0x0], $0xffff  }
0x17d: {  	[tilespmem:s1+$0xFFFFFF80] =	vst v15;
	v4 =	vld.idx.msk [tilespmem:v13+s3+$0x0], $0xffff  }
0x17e: {  	s19 =	simm.s32 $0x18880;
	s25 =	simm.s32 $0x0;
	[tilespmem:s1+$0x0] =	vst v8;
	v5 =	vld.idx.msk [tilespmem:v14+s3+$0x0], $0xffff  }
.LBB2_10:
0x17f: {  	v6 =	vld [tilespmem:s19+$0x70];
	s25 =	sadd.s32 $0x100, s25;
	[tilespmem:s1+$0x10] =	vst v0  }
0x180: {  	v0 =	vld [tilespmem:s19+$0xFFFFFF90];
	p1 =	slt.u32 s25, $0xF00;
	[tilespmem:s1+$0x20] =	vst v1  }
0x181: {  	v1 =	vld [tilespmem:s19+$0xFFFFFFA0];
	[tilespmem:s1+$0x30] =	vst v2  }
0x182: {  	v2 =	vld [tilespmem:s19+$0xFFFFFFB0];
	[tilespmem:s1+$0x40] =	vst v3  }
0x183: {  	v3 =	vld [tilespmem:s19+$0xFFFFFFC0];
	[tilespmem:s1+$0x50] =	vst v4  }
0x184: {  	v4 =	vld [tilespmem:s19+$0xFFFFFFD0];
	[tilespmem:s1+$0x60] =	vst v5  }
0x185: {  	v5 =	vld [tilespmem:s19+$0xFFFFFFE0]  }
0x186: {  	v7 =	vld [tilespmem:s19+$0xFFFFFFF0]  }
0x187: {  	v6 =	vld.idx.msk [tilespmem:v6+s3+$0x0], $0xffff  }
0x188: {  	v8 =	vld [tilespmem:s19+$0x0]  }
0x189: {  	v9 =	vld [tilespmem:s19+$0x10]  }
0x18a: {  	v10 =	vld [tilespmem:s19+$0x20]  }
0x18b: {  	v11 =	vld [tilespmem:s19+$0x30]  }
0x18c: {  	s1 =	sadd.s32 $0x100, s1;
	v12 =	vld [tilespmem:s19+$0x40]  }
0x18d: {  	v13 =	vld [tilespmem:s19+$0x50];
	[tilespmem:s1+$0x70] =	vst v6  }
0x18e: {  	v6 =	vld [tilespmem:s19+$0x60]  }
0x18f: {  	v14 =	vld [tilespmem:s19+$0xFFFFFF80]  }
0x190: {  	v0 =	vld.idx.msk [tilespmem:v0+s3+$0x0], $0xffff  }
0x191: {  	v1 =	vld.idx.msk [tilespmem:v1+s3+$0x0], $0xffff  }
0x192: {  	v2 =	vld.idx.msk [tilespmem:v2+s3+$0x0], $0xffff  }
0x193: {  	v3 =	vld.idx.msk [tilespmem:v3+s3+$0x0], $0xffff  }
0x194: {  	v4 =	vld.idx.msk [tilespmem:v4+s3+$0x0], $0xffff  }
0x195: {  	v5 =	vld.idx.msk [tilespmem:v5+s3+$0x0], $0xffff  }
0x196: {  	[tilespmem:s1+$0xFFFFFF90] =	vst v0;
	v7 =	vld.idx.msk [tilespmem:v7+s3+$0x0], $0xffff  }
0x197: {  	v14 =	vld.idx.msk [tilespmem:v14+s3+$0x0], $0xffff;
	[tilespmem:s1+$0xFFFFFFA0] =	vst v1  }
0x198: {  	[tilespmem:s1+$0xFFFFFFB0] =	vst v2;
	v8 =	vld.idx.msk [tilespmem:v8+s3+$0x0], $0xffff  }
0x199: {  	[tilespmem:s1+$0xFFFFFFC0] =	vst v3;
	v0 =	vld.idx.msk [tilespmem:v9+s3+$0x0], $0xffff  }
.Ltmp6:
0x19a: {  	[tilespmem:s1+$0xFFFFFFD0] =	vst v4;
	v1 =	vld.idx.msk [tilespmem:v10+s3+$0x0], $0xffff;
	(pc) =	sbr.rel @p1 .LBB2_10-.Ltmp6, $4  }
0x19b: {  	[tilespmem:s1+$0xFFFFFFE0] =	vst v5;
	v2 =	vld.idx.msk [tilespmem:v11+s3+$0x0], $0xffff  }
0x19c: {  	[tilespmem:s1+$0xFFFFFFF0] =	vst v7;
	v3 =	vld.idx.msk [tilespmem:v12+s3+$0x0], $0xffff  }
0x19d: {  	[tilespmem:s1+$0xFFFFFF80] =	vst v14;
	v4 =	vld.idx.msk [tilespmem:v13+s3+$0x0], $0xffff  }
0x19e: {  	s19 =	sadd.s32 $0x100, s19;
	[tilespmem:s1+$0x0] =	vst v8;
	v5 =	vld.idx.msk [tilespmem:v6+s3+$0x0], $0xffff  }
0x19f: {  	[tilespmem:s1+$0x10] =	vst v0  }
0x1a0: {  	[tilespmem:s1+$0x20] =	vst v1  }
0x1a1: {  	[tilespmem:s1+$0x30] =	vst v2  }
0x1a2: {  	[tilespmem:s1+$0x40] =	vst v3  }
0x1a3: {  	[tilespmem:s1+$0x50] =	vst v4  }
0x1a4: {  	s25 =	simm.s32 $0x197F0;
	[tilespmem:s1+$0x60] =	vst v5  }
0x1a5: {  	[hbm4b:s10+s26] =	stream.strided.scatter [tilespmem:s30], [sflag:$0x1], $0x1000, s28, s26, $0x38;
	[tilespmem:$0x1E700] =	vst v63  }
0x1a6: {  	v0 =	vld [tilespmem:s25+$0x0]  }
0x1a7: {  	v1 =	vld [tilespmem:s25+$0xFFFFFF20]  }
0x1a8: {  	v2 =	vld [tilespmem:s25+$0xFFFFFF30]  }
0x1a9: {  	v3 =	vld [tilespmem:s25+$0xFFFFFF40]  }
0x1aa: {  	v4 =	vld [tilespmem:s25+$0xFFFFFF50]  }
0x1ab: {  	v5 =	vld [tilespmem:s25+$0xFFFFFF60]  }
0x1ac: {  	v6 =	vld [tilespmem:s25+$0xFFFFFF70]  }
0x1ad: {  	v7 =	vld [tilespmem:s25+$0xFFFFFF80]  }
0x1ae: {  	v8 =	vld [tilespmem:s25+$0xFFFFFF90]  }
0x1af: {  	v9 =	vld [tilespmem:s25+$0xFFFFFFA0]  }
0x1b0: {  	v10 =	vld [tilespmem:s25+$0xFFFFFFB0]  }
0x1b1: {  	v11 =	vld [tilespmem:s25+$0xFFFFFFC0]  }
0x1b2: {  	v12 =	vld [tilespmem:s25+$0xFFFFFFD0]  }
0x1b3: {  	v13 =	vld [tilespmem:s25+$0xFFFFFFE0]  }
0x1b4: {  	v14 =	vld [tilespmem:s25+$0xFFFFFFF0]  }
0x1b5: {  	v15 =	vld [tilespmem:s25+$0xFFFFFF10]  }
0x1b6: {  	v0 =	vld.idx.msk [tilespmem:v0+s3+$0x0], $0xffff  }
0x1b7: {  	v1 =	vld.idx.msk [tilespmem:v1+s3+$0x0], $0xffff  }
0x1b8: {  	v2 =	vld.idx.msk [tilespmem:v2+s3+$0x0], $0xffff  }
0x1b9: {  	v3 =	vld.idx.msk [tilespmem:v3+s3+$0x0], $0xffff  }
0x1ba: {  	v4 =	vld.idx.msk [tilespmem:v4+s3+$0x0], $0xffff  }
0x1bb: {  	s1 =	simm.s32 $0x1D780;
	v5 =	vld.idx.msk [tilespmem:v5+s3+$0x0], $0xffff  }
0x1bc: {  	v6 =	vld.idx.msk [tilespmem:v6+s3+$0x0], $0xffff;
	[tilespmem:s1+$0x70] =	vst v0  }
0x1bd: {  	v7 =	vld.idx.msk [tilespmem:v7+s3+$0x0], $0xffff;
	[tilespmem:s1+$0xFFFFFF90] =	vst v1  }
0x1be: {  	v15 =	vld.idx.msk [tilespmem:v15+s3+$0x0], $0xffff;
	[tilespmem:s1+$0xFFFFFFA0] =	vst v2  }
0x1bf: {  	v8 =	vld.idx.msk [tilespmem:v8+s3+$0x0], $0xffff;
	[tilespmem:s1+$0xFFFFFFB0] =	vst v3  }
0x1c0: {  	[tilespmem:s1+$0xFFFFFFC0] =	vst v4;
	v0 =	vld.idx.msk [tilespmem:v9+s3+$0x0], $0xffff  }
0x1c1: {  	[tilespmem:s1+$0xFFFFFFD0] =	vst v5;
	v1 =	vld.idx.msk [tilespmem:v10+s3+$0x0], $0xffff  }
0x1c2: {  	[tilespmem:s1+$0xFFFFFFE0] =	vst v6;
	v2 =	vld.idx.msk [tilespmem:v11+s3+$0x0], $0xffff  }
0x1c3: {  	[tilespmem:s1+$0xFFFFFFF0] =	vst v7;
	v3 =	vld.idx.msk [tilespmem:v12+s3+$0x0], $0xffff  }
0x1c4: {  	[tilespmem:s1+$0xFFFFFF80] =	vst v15;
	v4 =	vld.idx.msk [tilespmem:v13+s3+$0x0], $0xffff  }
0x1c5: {  	s19 =	simm.s32 $0x198F0;
	s25 =	simm.s32 $0x0;
	[tilespmem:s1+$0x0] =	vst v8;
	v5 =	vld.idx.msk [tilespmem:v14+s3+$0x0], $0xffff  }
.LBB2_12:
0x1c6: {  	v6 =	vld [tilespmem:s19+$0x0];
	s25 =	sadd.s32 $0x100, s25;
	[tilespmem:s1+$0x10] =	vst v0  }
0x1c7: {  	v0 =	vld [tilespmem:s19+$0xFFFFFF20];
	p1 =	slt.u32 s25, $0xF00;
	[tilespmem:s1+$0x20] =	vst v1  }
0x1c8: {  	v1 =	vld [tilespmem:s19+$0xFFFFFF30];
	[tilespmem:s1+$0x30] =	vst v2  }
0x1c9: {  	v2 =	vld [tilespmem:s19+$0xFFFFFF40];
	[tilespmem:s1+$0x40] =	vst v3  }
0x1ca: {  	v3 =	vld [tilespmem:s19+$0xFFFFFF50];
	[tilespmem:s1+$0x50] =	vst v4  }
0x1cb: {  	v4 =	vld [tilespmem:s19+$0xFFFFFF60];
	[tilespmem:s1+$0x60] =	vst v5  }
0x1cc: {  	v5 =	vld [tilespmem:s19+$0xFFFFFF70]  }
0x1cd: {  	v7 =	vld [tilespmem:s19+$0xFFFFFF80]  }
0x1ce: {  	v6 =	vld.idx.msk [tilespmem:v6+s3+$0x0], $0xffff  }
0x1cf: {  	v8 =	vld [tilespmem:s19+$0xFFFFFF90]  }
0x1d0: {  	v9 =	vld [tilespmem:s19+$0xFFFFFFA0]  }
0x1d1: {  	v10 =	vld [tilespmem:s19+$0xFFFFFFB0]  }
0x1d2: {  	v11 =	vld [tilespmem:s19+$0xFFFFFFC0]  }
0x1d3: {  	s1 =	sadd.s32 $0x100, s1;
	v12 =	vld [tilespmem:s19+$0xFFFFFFD0]  }
0x1d4: {  	v13 =	vld [tilespmem:s19+$0xFFFFFFE0];
	[tilespmem:s1+$0x70] =	vst v6  }
0x1d5: {  	v6 =	vld [tilespmem:s19+$0xFFFFFFF0]  }
0x1d6: {  	v14 =	vld [tilespmem:s19+$0xFFFFFF10]  }
0x1d7: {  	v0 =	vld.idx.msk [tilespmem:v0+s3+$0x0], $0xffff  }
0x1d8: {  	v1 =	vld.idx.msk [tilespmem:v1+s3+$0x0], $0xffff  }
0x1d9: {  	v2 =	vld.idx.msk [tilespmem:v2+s3+$0x0], $0xffff  }
0x1da: {  	v3 =	vld.idx.msk [tilespmem:v3+s3+$0x0], $0xffff  }
0x1db: {  	v4 =	vld.idx.msk [tilespmem:v4+s3+$0x0], $0xffff  }
0x1dc: {  	v5 =	vld.idx.msk [tilespmem:v5+s3+$0x0], $0xffff  }
0x1dd: {  	[tilespmem:s1+$0xFFFFFF90] =	vst v0;
	v7 =	vld.idx.msk [tilespmem:v7+s3+$0x0], $0xffff  }
0x1de: {  	v14 =	vld.idx.msk [tilespmem:v14+s3+$0x0], $0xffff;
	[tilespmem:s1+$0xFFFFFFA0] =	vst v1  }
0x1df: {  	[tilespmem:s1+$0xFFFFFFB0] =	vst v2;
	v8 =	vld.idx.msk [tilespmem:v8+s3+$0x0], $0xffff  }
0x1e0: {  	[tilespmem:s1+$0xFFFFFFC0] =	vst v3;
	v0 =	vld.idx.msk [tilespmem:v9+s3+$0x0], $0xffff  }
.Ltmp7:
0x1e1: {  	[tilespmem:s1+$0xFFFFFFD0] =	vst v4;
	v1 =	vld.idx.msk [tilespmem:v10+s3+$0x0], $0xffff;
	(pc) =	sbr.rel @p1 .LBB2_12-.Ltmp7, $4  }
0x1e2: {  	[tilespmem:s1+$0xFFFFFFE0] =	vst v5;
	v2 =	vld.idx.msk [tilespmem:v11+s3+$0x0], $0xffff  }
0x1e3: {  	[tilespmem:s1+$0xFFFFFFF0] =	vst v7;
	v3 =	vld.idx.msk [tilespmem:v12+s3+$0x0], $0xffff  }
0x1e4: {  	[tilespmem:s1+$0xFFFFFF80] =	vst v14;
	v4 =	vld.idx.msk [tilespmem:v13+s3+$0x0], $0xffff  }
0x1e5: {  	s19 =	sadd.s32 $0x100, s19;
	[tilespmem:s1+$0x0] =	vst v8;
	v5 =	vld.idx.msk [tilespmem:v6+s3+$0x0], $0xffff  }
0x1e6: {  	[tilespmem:s1+$0x10] =	vst v0  }
0x1e7: {  	[tilespmem:s1+$0x20] =	vst v1  }
0x1e8: {  	[tilespmem:s1+$0x30] =	vst v2  }
0x1e9: {  	[tilespmem:s1+$0x40] =	vst v3  }
0x1ea: {  	[tilespmem:s1+$0x50] =	vst v4  }
0x1eb: {  	[tilespmem:s1+$0x60] =	vst v5  }
0x1ec: {  	[hbm4b:s11+s26] =	stream.strided.scatter [tilespmem:s31], [sflag:$0x1], $0x1000, s28, s26, $0x38;
	[tilespmem:$0x1E700] =	vst v63  }
0x1ed: {  	_ =	swait.ge [sflag:s0], $0x1000  }
0x1ee: {  	[sflag:s0] =	ssyncset.done $0x0  }
0x1ef: {  	s25 =	simm.s32 $0x1A7F0;
	[sflag:s0] =	ssyncadd.s32 $0xFFFFF000  }
0x1f0: {  	v0 =	vld [tilespmem:s25+$0x0]  }
0x1f1: {  	v1 =	vld [tilespmem:s25+$0xFFFFFF20]  }
0x1f2: {  	v2 =	vld [tilespmem:s25+$0xFFFFFF30]  }
0x1f3: {  	v3 =	vld [tilespmem:s25+$0xFFFFFF40]  }
0x1f4: {  	v4 =	vld [tilespmem:s25+$0xFFFFFF50]  }
0x1f5: {  	v5 =	vld [tilespmem:s25+$0xFFFFFF60]  }
0x1f6: {  	v6 =	vld [tilespmem:s25+$0xFFFFFF70]  }
0x1f7: {  	v7 =	vld [tilespmem:s25+$0xFFFFFF80]  }
0x1f8: {  	v8 =	vld [tilespmem:s25+$0xFFFFFF90]  }
0x1f9: {  	v9 =	vld [tilespmem:s25+$0xFFFFFFA0]  }
0x1fa: {  	v10 =	vld [tilespmem:s25+$0xFFFFFFB0]  }
0x1fb: {  	v11 =	vld [tilespmem:s25+$0xFFFFFFC0]  }
0x1fc: {  	v12 =	vld [tilespmem:s25+$0xFFFFFFD0]  }
0x1fd: {  	v13 =	vld [tilespmem:s25+$0xFFFFFFE0]  }
0x1fe: {  	v14 =	vld [tilespmem:s25+$0xFFFFFFF0]  }
0x1ff: {  	v15 =	vld [tilespmem:s25+$0xFFFFFF10]  }
0x200: {  	v0 =	vld.idx.msk [tilespmem:v0+s3+$0x0], $0xffff  }
0x201: {  	v1 =	vld.idx.msk [tilespmem:v1+s3+$0x0], $0xffff  }
0x202: {  	v2 =	vld.idx.msk [tilespmem:v2+s3+$0x0], $0xffff  }
0x203: {  	v3 =	vld.idx.msk [tilespmem:v3+s3+$0x0], $0xffff  }
0x204: {  	v4 =	vld.idx.msk [tilespmem:v4+s3+$0x0], $0xffff  }
0x205: {  	s1 =	simm.s32 $0x1C780;
	v5 =	vld.idx.msk [tilespmem:v5+s3+$0x0], $0xffff  }
0x206: {  	v6 =	vld.idx.msk [tilespmem:v6+s3+$0x0], $0xffff;
	[tilespmem:s1+$0x70] =	vst v0  }
0x207: {  	v7 =	vld.idx.msk [tilespmem:v7+s3+$0x0], $0xffff;
	[tilespmem:s1+$0xFFFFFF90] =	vst v1  }
0x208: {  	v15 =	vld.idx.msk [tilespmem:v15+s3+$0x0], $0xffff;
	[tilespmem:s1+$0xFFFFFFA0] =	vst v2  }
0x209: {  	v8 =	vld.idx.msk [tilespmem:v8+s3+$0x0], $0xffff;
	[tilespmem:s1+$0xFFFFFFB0] =	vst v3  }
0x20a: {  	[tilespmem:s1+$0xFFFFFFC0] =	vst v4;
	v0 =	vld.idx.msk [tilespmem:v9+s3+$0x0], $0xffff  }
0x20b: {  	[tilespmem:s1+$0xFFFFFFD0] =	vst v5;
	v1 =	vld.idx.msk [tilespmem:v10+s3+$0x0], $0xffff  }
0x20c: {  	[tilespmem:s1+$0xFFFFFFE0] =	vst v6;
	v2 =	vld.idx.msk [tilespmem:v11+s3+$0x0], $0xffff  }
0x20d: {  	[tilespmem:s1+$0xFFFFFFF0] =	vst v7;
	v3 =	vld.idx.msk [tilespmem:v12+s3+$0x0], $0xffff  }
0x20e: {  	[tilespmem:s1+$0xFFFFFF80] =	vst v15;
	v4 =	vld.idx.msk [tilespmem:v13+s3+$0x0], $0xffff  }
0x20f: {  	s19 =	simm.s32 $0x1A8F0;
	s25 =	simm.s32 $0x0;
	[tilespmem:s1+$0x0] =	vst v8;
	v5 =	vld.idx.msk [tilespmem:v14+s3+$0x0], $0xffff  }
.LBB2_14:
0x210: {  	v6 =	vld [tilespmem:s19+$0x0];
	s25 =	sadd.s32 $0x100, s25;
	[tilespmem:s1+$0x10] =	vst v0  }
0x211: {  	v0 =	vld [tilespmem:s19+$0xFFFFFF20];
	p1 =	slt.u32 s25, $0xF00;
	[tilespmem:s1+$0x20] =	vst v1  }
0x212: {  	v1 =	vld [tilespmem:s19+$0xFFFFFF30];
	[tilespmem:s1+$0x30] =	vst v2  }
0x213: {  	v2 =	vld [tilespmem:s19+$0xFFFFFF40];
	[tilespmem:s1+$0x40] =	vst v3  }
0x214: {  	v3 =	vld [tilespmem:s19+$0xFFFFFF50];
	[tilespmem:s1+$0x50] =	vst v4  }
0x215: {  	v4 =	vld [tilespmem:s19+$0xFFFFFF60];
	[tilespmem:s1+$0x60] =	vst v5  }
0x216: {  	v5 =	vld [tilespmem:s19+$0xFFFFFF70]  }
0x217: {  	v7 =	vld [tilespmem:s19+$0xFFFFFF80]  }
0x218: {  	v6 =	vld.idx.msk [tilespmem:v6+s3+$0x0], $0xffff  }
0x219: {  	v8 =	vld [tilespmem:s19+$0xFFFFFF90]  }
0x21a: {  	v9 =	vld [tilespmem:s19+$0xFFFFFFA0]  }
0x21b: {  	v10 =	vld [tilespmem:s19+$0xFFFFFFB0]  }
0x21c: {  	v11 =	vld [tilespmem:s19+$0xFFFFFFC0]  }
0x21d: {  	s1 =	sadd.s32 $0x100, s1;
	v12 =	vld [tilespmem:s19+$0xFFFFFFD0]  }
0x21e: {  	v13 =	vld [tilespmem:s19+$0xFFFFFFE0];
	[tilespmem:s1+$0x70] =	vst v6  }
0x21f: {  	v6 =	vld [tilespmem:s19+$0xFFFFFFF0]  }
0x220: {  	v14 =	vld [tilespmem:s19+$0xFFFFFF10]  }
0x221: {  	v0 =	vld.idx.msk [tilespmem:v0+s3+$0x0], $0xffff  }
0x222: {  	v1 =	vld.idx.msk [tilespmem:v1+s3+$0x0], $0xffff  }
0x223: {  	v2 =	vld.idx.msk [tilespmem:v2+s3+$0x0], $0xffff  }
0x224: {  	v3 =	vld.idx.msk [tilespmem:v3+s3+$0x0], $0xffff  }
0x225: {  	v4 =	vld.idx.msk [tilespmem:v4+s3+$0x0], $0xffff  }
0x226: {  	v5 =	vld.idx.msk [tilespmem:v5+s3+$0x0], $0xffff  }
0x227: {  	[tilespmem:s1+$0xFFFFFF90] =	vst v0;
	v7 =	vld.idx.msk [tilespmem:v7+s3+$0x0], $0xffff  }
0x228: {  	v14 =	vld.idx.msk [tilespmem:v14+s3+$0x0], $0xffff;
	[tilespmem:s1+$0xFFFFFFA0] =	vst v1  }
0x229: {  	[tilespmem:s1+$0xFFFFFFB0] =	vst v2;
	v8 =	vld.idx.msk [tilespmem:v8+s3+$0x0], $0xffff  }
0x22a: {  	[tilespmem:s1+$0xFFFFFFC0] =	vst v3;
	v0 =	vld.idx.msk [tilespmem:v9+s3+$0x0], $0xffff  }
.Ltmp8:
0x22b: {  	[tilespmem:s1+$0xFFFFFFD0] =	vst v4;
	v1 =	vld.idx.msk [tilespmem:v10+s3+$0x0], $0xffff;
	(pc) =	sbr.rel @p1 .LBB2_14-.Ltmp8, $4  }
0x22c: {  	[tilespmem:s1+$0xFFFFFFE0] =	vst v5;
	v2 =	vld.idx.msk [tilespmem:v11+s3+$0x0], $0xffff  }
0x22d: {  	[tilespmem:s1+$0xFFFFFFF0] =	vst v7;
	v3 =	vld.idx.msk [tilespmem:v12+s3+$0x0], $0xffff  }
0x22e: {  	[tilespmem:s1+$0xFFFFFF80] =	vst v14;
	v4 =	vld.idx.msk [tilespmem:v13+s3+$0x0], $0xffff  }
0x22f: {  	s19 =	sadd.s32 $0x100, s19;
	[tilespmem:s1+$0x0] =	vst v8;
	v5 =	vld.idx.msk [tilespmem:v6+s3+$0x0], $0xffff  }
0x230: {  	[tilespmem:s1+$0x10] =	vst v0  }
0x231: {  	[tilespmem:s1+$0x20] =	vst v1  }
0x232: {  	[tilespmem:s1+$0x30] =	vst v2  }
0x233: {  	[tilespmem:s1+$0x40] =	vst v3  }
0x234: {  	[tilespmem:s1+$0x50] =	vst v4  }
0x235: {  	[tilespmem:s1+$0x60] =	vst v5  }
0x236: {  	[hbm4b:s12+s26] =	stream.strided.scatter [tilespmem:s30], [sflag:$0x1], $0x1000, s28, s26, $0x38;
	[tilespmem:$0x1E700] =	vst v63  }
0x237: {  	_ =	swait.ge [sflag:s0], $0x1000  }
0x238: {  	[sflag:s0] =	ssyncset.done $0x0  }
0x239: {  	s25 =	simm.s32 $0x1B7F0;
	[sflag:s0] =	ssyncadd.s32 $0xFFFFF000  }
0x23a: {  	v0 =	vld [tilespmem:s25+$0x0]  }
0x23b: {  	v1 =	vld [tilespmem:s25+$0xFFFFFF20]  }
0x23c: {  	v2 =	vld [tilespmem:s25+$0xFFFFFF30]  }
0x23d: {  	v3 =	vld [tilespmem:s25+$0xFFFFFF40]  }
0x23e: {  	v4 =	vld [tilespmem:s25+$0xFFFFFF50]  }
0x23f: {  	v5 =	vld [tilespmem:s25+$0xFFFFFF60]  }
0x240: {  	v6 =	vld [tilespmem:s25+$0xFFFFFF70]  }
0x241: {  	v7 =	vld [tilespmem:s25+$0xFFFFFF80]  }
0x242: {  	v8 =	vld [tilespmem:s25+$0xFFFFFF90]  }
0x243: {  	v9 =	vld [tilespmem:s25+$0xFFFFFFA0]  }
0x244: {  	v10 =	vld [tilespmem:s25+$0xFFFFFFB0]  }
0x245: {  	v11 =	vld [tilespmem:s25+$0xFFFFFFC0]  }
0x246: {  	v12 =	vld [tilespmem:s25+$0xFFFFFFD0]  }
0x247: {  	v13 =	vld [tilespmem:s25+$0xFFFFFFE0]  }
0x248: {  	v14 =	vld [tilespmem:s25+$0xFFFFFFF0]  }
0x249: {  	v15 =	vld [tilespmem:s25+$0xFFFFFF10]  }
0x24a: {  	v0 =	vld.idx.msk [tilespmem:v0+s3+$0x0], $0xffff  }
0x24b: {  	v1 =	vld.idx.msk [tilespmem:v1+s3+$0x0], $0xffff  }
0x24c: {  	v2 =	vld.idx.msk [tilespmem:v2+s3+$0x0], $0xffff  }
0x24d: {  	v3 =	vld.idx.msk [tilespmem:v3+s3+$0x0], $0xffff  }
0x24e: {  	v4 =	vld.idx.msk [tilespmem:v4+s3+$0x0], $0xffff  }
0x24f: {  	s1 =	simm.s32 $0x1D780;
	v5 =	vld.idx.msk [tilespmem:v5+s3+$0x0], $0xffff  }
0x250: {  	v6 =	vld.idx.msk [tilespmem:v6+s3+$0x0], $0xffff;
	[tilespmem:s1+$0x70] =	vst v0  }
0x251: {  	v7 =	vld.idx.msk [tilespmem:v7+s3+$0x0], $0xffff;
	[tilespmem:s1+$0xFFFFFF90] =	vst v1  }
0x252: {  	v15 =	vld.idx.msk [tilespmem:v15+s3+$0x0], $0xffff;
	[tilespmem:s1+$0xFFFFFFA0] =	vst v2  }
0x253: {  	v8 =	vld.idx.msk [tilespmem:v8+s3+$0x0], $0xffff;
	[tilespmem:s1+$0xFFFFFFB0] =	vst v3  }
0x254: {  	[tilespmem:s1+$0xFFFFFFC0] =	vst v4;
	v0 =	vld.idx.msk [tilespmem:v9+s3+$0x0], $0xffff  }
0x255: {  	[tilespmem:s1+$0xFFFFFFD0] =	vst v5;
	v1 =	vld.idx.msk [tilespmem:v10+s3+$0x0], $0xffff  }
0x256: {  	[tilespmem:s1+$0xFFFFFFE0] =	vst v6;
	v2 =	vld.idx.msk [tilespmem:v11+s3+$0x0], $0xffff  }
0x257: {  	[tilespmem:s1+$0xFFFFFFF0] =	vst v7;
	v3 =	vld.idx.msk [tilespmem:v12+s3+$0x0], $0xffff  }
0x258: {  	[tilespmem:s1+$0xFFFFFF80] =	vst v15;
	v4 =	vld.idx.msk [tilespmem:v13+s3+$0x0], $0xffff  }
0x259: {  	s19 =	simm.s32 $0x1B8F0;
	s25 =	simm.s32 $0x0;
	[tilespmem:s1+$0x0] =	vst v8;
	v5 =	vld.idx.msk [tilespmem:v14+s3+$0x0], $0xffff  }
.LBB2_16:
0x25a: {  	v6 =	vld [tilespmem:s19+$0x0];
	s25 =	sadd.s32 $0x100, s25;
	[tilespmem:s1+$0x10] =	vst v0  }
0x25b: {  	v0 =	vld [tilespmem:s19+$0xFFFFFF20];
	p1 =	slt.u32 s25, $0xF00;
	[tilespmem:s1+$0x20] =	vst v1  }
0x25c: {  	v1 =	vld [tilespmem:s19+$0xFFFFFF30];
	[tilespmem:s1+$0x30] =	vst v2  }
0x25d: {  	v2 =	vld [tilespmem:s19+$0xFFFFFF40];
	[tilespmem:s1+$0x40] =	vst v3  }
0x25e: {  	v3 =	vld [tilespmem:s19+$0xFFFFFF50];
	[tilespmem:s1+$0x50] =	vst v4  }
0x25f: {  	v4 =	vld [tilespmem:s19+$0xFFFFFF60];
	[tilespmem:s1+$0x60] =	vst v5  }
0x260: {  	v5 =	vld [tilespmem:s19+$0xFFFFFF70]  }
0x261: {  	v7 =	vld [tilespmem:s19+$0xFFFFFF80]  }
0x262: {  	v6 =	vld.idx.msk [tilespmem:v6+s3+$0x0], $0xffff  }
0x263: {  	v8 =	vld [tilespmem:s19+$0xFFFFFF90]  }
0x264: {  	v9 =	vld [tilespmem:s19+$0xFFFFFFA0]  }
0x265: {  	v10 =	vld [tilespmem:s19+$0xFFFFFFB0]  }
0x266: {  	v11 =	vld [tilespmem:s19+$0xFFFFFFC0]  }
0x267: {  	s1 =	sadd.s32 $0x100, s1;
	v12 =	vld [tilespmem:s19+$0xFFFFFFD0]  }
0x268: {  	v13 =	vld [tilespmem:s19+$0xFFFFFFE0];
	[tilespmem:s1+$0x70] =	vst v6  }
0x269: {  	v6 =	vld [tilespmem:s19+$0xFFFFFFF0]  }
0x26a: {  	v14 =	vld [tilespmem:s19+$0xFFFFFF10]  }
0x26b: {  	v0 =	vld.idx.msk [tilespmem:v0+s3+$0x0], $0xffff  }
0x26c: {  	v1 =	vld.idx.msk [tilespmem:v1+s3+$0x0], $0xffff  }
0x26d: {  	v2 =	vld.idx.msk [tilespmem:v2+s3+$0x0], $0xffff  }
0x26e: {  	v3 =	vld.idx.msk [tilespmem:v3+s3+$0x0], $0xffff  }
0x26f: {  	v4 =	vld.idx.msk [tilespmem:v4+s3+$0x0], $0xffff  }
0x270: {  	v5 =	vld.idx.msk [tilespmem:v5+s3+$0x0], $0xffff  }
0x271: {  	[tilespmem:s1+$0xFFFFFF90] =	vst v0;
	v7 =	vld.idx.msk [tilespmem:v7+s3+$0x0], $0xffff  }
0x272: {  	v14 =	vld.idx.msk [tilespmem:v14+s3+$0x0], $0xffff;
	[tilespmem:s1+$0xFFFFFFA0] =	vst v1  }
0x273: {  	[tilespmem:s1+$0xFFFFFFB0] =	vst v2;
	v8 =	vld.idx.msk [tilespmem:v8+s3+$0x0], $0xffff  }
0x274: {  	[tilespmem:s1+$0xFFFFFFC0] =	vst v3;
	v0 =	vld.idx.msk [tilespmem:v9+s3+$0x0], $0xffff  }
.Ltmp9:
0x275: {  	[tilespmem:s1+$0xFFFFFFD0] =	vst v4;
	v1 =	vld.idx.msk [tilespmem:v10+s3+$0x0], $0xffff;
	(pc) =	sbr.rel @p1 .LBB2_16-.Ltmp9, $4  }
0x276: {  	[tilespmem:s1+$0xFFFFFFE0] =	vst v5;
	v2 =	vld.idx.msk [tilespmem:v11+s3+$0x0], $0xffff  }
0x277: {  	[tilespmem:s1+$0xFFFFFFF0] =	vst v7;
	v3 =	vld.idx.msk [tilespmem:v12+s3+$0x0], $0xffff  }
0x278: {  	[tilespmem:s1+$0xFFFFFF80] =	vst v14;
	v4 =	vld.idx.msk [tilespmem:v13+s3+$0x0], $0xffff  }
0x279: {  	s19 =	sadd.s32 $0x100, s19;
	[tilespmem:s1+$0x0] =	vst v8;
	v5 =	vld.idx.msk [tilespmem:v6+s3+$0x0], $0xffff  }
0x27a: {  	[tilespmem:s1+$0x10] =	vst v0  }
0x27b: {  	[tilespmem:s1+$0x20] =	vst v1  }
0x27c: {  	[tilespmem:s1+$0x30] =	vst v2  }
0x27d: {  	[tilespmem:s1+$0x40] =	vst v3  }
0x27e: {  	[tilespmem:s1+$0x50] =	vst v4  }
0x27f: {  	[tilespmem:s1+$0x60] =	vst v5  }
0x280: {  	[hbm4b:s13+s26] =	stream.strided.scatter [tilespmem:s31], [sflag:$0x1], $0x1000, s28, s26, $0x38;
	[tilespmem:$0x1E700] =	vst v63  }
0x281: {  	_ = 	snop  }
0x282: {  	[tilespmem:s3], [sflag:$0x2] =	stream.strided.gather [hbm4b:s14+s26], $0x18700, s28, s26, $0x38;
	[tilespmem:$0x1E700] =	vst v63  }
0x283: {  	_ =	swait.ge [sflag:s0], $0x1000  }
0x284: {  	[sflag:s0] =	ssyncset.done $0x0  }
0x285: {  	[sflag:s0] =	ssyncadd.s32 $0xFFFFF000  }
0x286: {  	_ =	swait.ge [sflag:s0], $0x1000  }
0x287: {  	[sflag:s0] =	ssyncset.done $0x0  }
0x288: {  	[sflag:s0] =	ssyncadd.s32 $0xFFFFF000  }
0x289: {  	_ =	swait.ge [sflag:s29], $0x18700  }
0x28a: {  	[sflag:s29] =	ssyncset.done $0x0  }
0x28b: {  	s25 =	simm.s32 $0x18780;
	[sflag:s29] =	ssyncadd.s32 $0xFFFE7900  }
0x28c: {  	v0 =	vld [tilespmem:s25+$0x70]  }
0x28d: {  	v1 =	vld [tilespmem:s25+$0xFFFFFF90]  }
0x28e: {  	v2 =	vld [tilespmem:s25+$0xFFFFFFA0]  }
0x28f: {  	v3 =	vld [tilespmem:s25+$0xFFFFFFB0]  }
0x290: {  	v4 =	vld [tilespmem:s25+$0xFFFFFFC0]  }
0x291: {  	v5 =	vld [tilespmem:s25+$0xFFFFFFD0]  }
0x292: {  	v6 =	vld [tilespmem:s25+$0xFFFFFFE0]  }
0x293: {  	v7 =	vld [tilespmem:s25+$0xFFFFFFF0]  }
0x294: {  	v8 =	vld [tilespmem:s25+$0x0]  }
0x295: {  	v9 =	vld [tilespmem:s25+$0x10]  }
0x296: {  	v10 =	vld [tilespmem:s25+$0x20]  }
0x297: {  	v11 =	vld [tilespmem:s25+$0x30]  }
0x298: {  	v12 =	vld [tilespmem:s25+$0x40]  }
0x299: {  	v13 =	vld [tilespmem:s25+$0x50]  }
0x29a: {  	v14 =	vld [tilespmem:s25+$0x60]  }
0x29b: {  	v15 =	vld [tilespmem:s25+$0xFFFFFF80]  }
0x29c: {  	v0 =	vld.idx.msk [tilespmem:v0+s3+$0x0], $0xffff  }
0x29d: {  	v1 =	vld.idx.msk [tilespmem:v1+s3+$0x0], $0xffff  }
0x29e: {  	v2 =	vld.idx.msk [tilespmem:v2+s3+$0x0], $0xffff  }
0x29f: {  	v3 =	vld.idx.msk [tilespmem:v3+s3+$0x0], $0xffff  }
0x2a0: {  	v4 =	vld.idx.msk [tilespmem:v4+s3+$0x0], $0xffff  }
0x2a1: {  	s1 =	simm.s32 $0x1C780;
	v5 =	vld.idx.msk [tilespmem:v5+s3+$0x0], $0xffff  }
0x2a2: {  	v6 =	vld.idx.msk [tilespmem:v6+s3+$0x0], $0xffff;
	[tilespmem:s1+$0x70] =	vst v0  }
0x2a3: {  	v7 =	vld.idx.msk [tilespmem:v7+s3+$0x0], $0xffff;
	[tilespmem:s1+$0xFFFFFF90] =	vst v1  }
0x2a4: {  	v15 =	vld.idx.msk [tilespmem:v15+s3+$0x0], $0xffff;
	[tilespmem:s1+$0xFFFFFFA0] =	vst v2  }
0x2a5: {  	v8 =	vld.idx.msk [tilespmem:v8+s3+$0x0], $0xffff;
	[tilespmem:s1+$0xFFFFFFB0] =	vst v3  }
0x2a6: {  	[tilespmem:s1+$0xFFFFFFC0] =	vst v4;
	v0 =	vld.idx.msk [tilespmem:v9+s3+$0x0], $0xffff  }
0x2a7: {  	[tilespmem:s1+$0xFFFFFFD0] =	vst v5;
	v1 =	vld.idx.msk [tilespmem:v10+s3+$0x0], $0xffff  }
0x2a8: {  	[tilespmem:s1+$0xFFFFFFE0] =	vst v6;
	v2 =	vld.idx.msk [tilespmem:v11+s3+$0x0], $0xffff  }
0x2a9: {  	[tilespmem:s1+$0xFFFFFFF0] =	vst v7;
	v3 =	vld.idx.msk [tilespmem:v12+s3+$0x0], $0xffff  }
0x2aa: {  	[tilespmem:s1+$0xFFFFFF80] =	vst v15;
	v4 =	vld.idx.msk [tilespmem:v13+s3+$0x0], $0xffff  }
0x2ab: {  	s19 =	simm.s32 $0x18880;
	s25 =	simm.s32 $0x0;
	[tilespmem:s1+$0x0] =	vst v8;
	v5 =	vld.idx.msk [tilespmem:v14+s3+$0x0], $0xffff  }
.LBB2_18:
0x2ac: {  	v6 =	vld [tilespmem:s19+$0x70];
	s25 =	sadd.s32 $0x100, s25;
	[tilespmem:s1+$0x10] =	vst v0  }
0x2ad: {  	v0 =	vld [tilespmem:s19+$0xFFFFFF90];
	p1 =	slt.u32 s25, $0xF00;
	[tilespmem:s1+$0x20] =	vst v1  }
0x2ae: {  	v1 =	vld [tilespmem:s19+$0xFFFFFFA0];
	[tilespmem:s1+$0x30] =	vst v2  }
0x2af: {  	v2 =	vld [tilespmem:s19+$0xFFFFFFB0];
	[tilespmem:s1+$0x40] =	vst v3  }
0x2b0: {  	v3 =	vld [tilespmem:s19+$0xFFFFFFC0];
	[tilespmem:s1+$0x50] =	vst v4  }
0x2b1: {  	v4 =	vld [tilespmem:s19+$0xFFFFFFD0];
	[tilespmem:s1+$0x60] =	vst v5  }
0x2b2: {  	v5 =	vld [tilespmem:s19+$0xFFFFFFE0]  }
0x2b3: {  	v7 =	vld [tilespmem:s19+$0xFFFFFFF0]  }
0x2b4: {  	v6 =	vld.idx.msk [tilespmem:v6+s3+$0x0], $0xffff  }
0x2b5: {  	v8 =	vld [tilespmem:s19+$0x0]  }
0x2b6: {  	v9 =	vld [tilespmem:s19+$0x10]  }
0x2b7: {  	v10 =	vld [tilespmem:s19+$0x20]  }
0x2b8: {  	v11 =	vld [tilespmem:s19+$0x30]  }
0x2b9: {  	s1 =	sadd.s32 $0x100, s1;
	v12 =	vld [tilespmem:s19+$0x40]  }
0x2ba: {  	v13 =	vld [tilespmem:s19+$0x50];
	[tilespmem:s1+$0x70] =	vst v6  }
0x2bb: {  	v6 =	vld [tilespmem:s19+$0x60]  }
0x2bc: {  	v14 =	vld [tilespmem:s19+$0xFFFFFF80]  }
0x2bd: {  	v0 =	vld.idx.msk [tilespmem:v0+s3+$0x0], $0xffff  }
0x2be: {  	v1 =	vld.idx.msk [tilespmem:v1+s3+$0x0], $0xffff  }
0x2bf: {  	v2 =	vld.idx.msk [tilespmem:v2+s3+$0x0], $0xffff  }
0x2c0: {  	v3 =	vld.idx.msk [tilespmem:v3+s3+$0x0], $0xffff  }
0x2c1: {  	v4 =	vld.idx.msk [tilespmem:v4+s3+$0x0], $0xffff  }
0x2c2: {  	v5 =	vld.idx.msk [tilespmem:v5+s3+$0x0], $0xffff  }
0x2c3: {  	[tilespmem:s1+$0xFFFFFF90] =	vst v0;
	v7 =	vld.idx.msk [tilespmem:v7+s3+$0x0], $0xffff  }
0x2c4: {  	v14 =	vld.idx.msk [tilespmem:v14+s3+$0x0], $0xffff;
	[tilespmem:s1+$0xFFFFFFA0] =	vst v1  }
0x2c5: {  	[tilespmem:s1+$0xFFFFFFB0] =	vst v2;
	v8 =	vld.idx.msk [tilespmem:v8+s3+$0x0], $0xffff  }
0x2c6: {  	[tilespmem:s1+$0xFFFFFFC0] =	vst v3;
	v0 =	vld.idx.msk [tilespmem:v9+s3+$0x0], $0xffff  }
.Ltmp10:
0x2c7: {  	[tilespmem:s1+$0xFFFFFFD0] =	vst v4;
	v1 =	vld.idx.msk [tilespmem:v10+s3+$0x0], $0xffff;
	(pc) =	sbr.rel @p1 .LBB2_18-.Ltmp10, $4  }
0x2c8: {  	[tilespmem:s1+$0xFFFFFFE0] =	vst v5;
	v2 =	vld.idx.msk [tilespmem:v11+s3+$0x0], $0xffff  }
0x2c9: {  	[tilespmem:s1+$0xFFFFFFF0] =	vst v7;
	v3 =	vld.idx.msk [tilespmem:v12+s3+$0x0], $0xffff  }
0x2ca: {  	[tilespmem:s1+$0xFFFFFF80] =	vst v14;
	v4 =	vld.idx.msk [tilespmem:v13+s3+$0x0], $0xffff  }
0x2cb: {  	s19 =	sadd.s32 $0x100, s19;
	[tilespmem:s1+$0x0] =	vst v8;
	v5 =	vld.idx.msk [tilespmem:v6+s3+$0x0], $0xffff  }
0x2cc: {  	[tilespmem:s1+$0x10] =	vst v0  }
0x2cd: {  	[tilespmem:s1+$0x20] =	vst v1  }
0x2ce: {  	[tilespmem:s1+$0x30] =	vst v2  }
0x2cf: {  	[tilespmem:s1+$0x40] =	vst v3  }
0x2d0: {  	[tilespmem:s1+$0x50] =	vst v4  }
0x2d1: {  	s25 =	simm.s32 $0x197F0;
	[tilespmem:s1+$0x60] =	vst v5  }
0x2d2: {  	[hbm4b:s15+s26] =	stream.strided.scatter [tilespmem:s30], [sflag:$0x1], $0x1000, s28, s26, $0x38;
	[tilespmem:$0x1E700] =	vst v63  }
0x2d3: {  	v0 =	vld [tilespmem:s25+$0x0]  }
0x2d4: {  	v1 =	vld [tilespmem:s25+$0xFFFFFF20]  }
0x2d5: {  	v2 =	vld [tilespmem:s25+$0xFFFFFF30]  }
0x2d6: {  	v3 =	vld [tilespmem:s25+$0xFFFFFF40]  }
0x2d7: {  	v4 =	vld [tilespmem:s25+$0xFFFFFF50]  }
0x2d8: {  	v5 =	vld [tilespmem:s25+$0xFFFFFF60]  }
0x2d9: {  	v6 =	vld [tilespmem:s25+$0xFFFFFF70]  }
0x2da: {  	v7 =	vld [tilespmem:s25+$0xFFFFFF80]  }
0x2db: {  	v8 =	vld [tilespmem:s25+$0xFFFFFF90]  }
0x2dc: {  	v9 =	vld [tilespmem:s25+$0xFFFFFFA0]  }
0x2dd: {  	v10 =	vld [tilespmem:s25+$0xFFFFFFB0]  }
0x2de: {  	v11 =	vld [tilespmem:s25+$0xFFFFFFC0]  }
0x2df: {  	v12 =	vld [tilespmem:s25+$0xFFFFFFD0]  }
0x2e0: {  	v13 =	vld [tilespmem:s25+$0xFFFFFFE0]  }
0x2e1: {  	v14 =	vld [tilespmem:s25+$0xFFFFFFF0]  }
0x2e2: {  	v15 =	vld [tilespmem:s25+$0xFFFFFF10]  }
0x2e3: {  	v0 =	vld.idx.msk [tilespmem:v0+s3+$0x0], $0xffff  }
0x2e4: {  	v1 =	vld.idx.msk [tilespmem:v1+s3+$0x0], $0xffff  }
0x2e5: {  	v2 =	vld.idx.msk [tilespmem:v2+s3+$0x0], $0xffff  }
0x2e6: {  	v3 =	vld.idx.msk [tilespmem:v3+s3+$0x0], $0xffff  }
0x2e7: {  	v4 =	vld.idx.msk [tilespmem:v4+s3+$0x0], $0xffff  }
0x2e8: {  	s1 =	simm.s32 $0x1D780;
	v5 =	vld.idx.msk [tilespmem:v5+s3+$0x0], $0xffff  }
0x2e9: {  	v6 =	vld.idx.msk [tilespmem:v6+s3+$0x0], $0xffff;
	[tilespmem:s1+$0x70] =	vst v0  }
0x2ea: {  	v7 =	vld.idx.msk [tilespmem:v7+s3+$0x0], $0xffff;
	[tilespmem:s1+$0xFFFFFF90] =	vst v1  }
0x2eb: {  	v15 =	vld.idx.msk [tilespmem:v15+s3+$0x0], $0xffff;
	[tilespmem:s1+$0xFFFFFFA0] =	vst v2  }
0x2ec: {  	v8 =	vld.idx.msk [tilespmem:v8+s3+$0x0], $0xffff;
	[tilespmem:s1+$0xFFFFFFB0] =	vst v3  }
0x2ed: {  	[tilespmem:s1+$0xFFFFFFC0] =	vst v4;
	v0 =	vld.idx.msk [tilespmem:v9+s3+$0x0], $0xffff  }
0x2ee: {  	[tilespmem:s1+$0xFFFFFFD0] =	vst v5;
	v1 =	vld.idx.msk [tilespmem:v10+s3+$0x0], $0xffff  }
0x2ef: {  	[tilespmem:s1+$0xFFFFFFE0] =	vst v6;
	v2 =	vld.idx.msk [tilespmem:v11+s3+$0x0], $0xffff  }
0x2f0: {  	[tilespmem:s1+$0xFFFFFFF0] =	vst v7;
	v3 =	vld.idx.msk [tilespmem:v12+s3+$0x0], $0xffff  }
0x2f1: {  	[tilespmem:s1+$0xFFFFFF80] =	vst v15;
	v4 =	vld.idx.msk [tilespmem:v13+s3+$0x0], $0xffff  }
0x2f2: {  	s19 =	simm.s32 $0x198F0;
	s25 =	simm.s32 $0x0;
	[tilespmem:s1+$0x0] =	vst v8;
	v5 =	vld.idx.msk [tilespmem:v14+s3+$0x0], $0xffff  }
.LBB2_20:
0x2f3: {  	v6 =	vld [tilespmem:s19+$0x0];
	s25 =	sadd.s32 $0x100, s25;
	[tilespmem:s1+$0x10] =	vst v0  }
0x2f4: {  	v0 =	vld [tilespmem:s19+$0xFFFFFF20];
	p1 =	slt.u32 s25, $0xF00;
	[tilespmem:s1+$0x20] =	vst v1  }
0x2f5: {  	v1 =	vld [tilespmem:s19+$0xFFFFFF30];
	[tilespmem:s1+$0x30] =	vst v2  }
0x2f6: {  	v2 =	vld [tilespmem:s19+$0xFFFFFF40];
	[tilespmem:s1+$0x40] =	vst v3  }
0x2f7: {  	v3 =	vld [tilespmem:s19+$0xFFFFFF50];
	[tilespmem:s1+$0x50] =	vst v4  }
0x2f8: {  	v4 =	vld [tilespmem:s19+$0xFFFFFF60];
	[tilespmem:s1+$0x60] =	vst v5  }
0x2f9: {  	v5 =	vld [tilespmem:s19+$0xFFFFFF70]  }
0x2fa: {  	v7 =	vld [tilespmem:s19+$0xFFFFFF80]  }
0x2fb: {  	v6 =	vld.idx.msk [tilespmem:v6+s3+$0x0], $0xffff  }
0x2fc: {  	v8 =	vld [tilespmem:s19+$0xFFFFFF90]  }
0x2fd: {  	v9 =	vld [tilespmem:s19+$0xFFFFFFA0]  }
0x2fe: {  	v10 =	vld [tilespmem:s19+$0xFFFFFFB0]  }
0x2ff: {  	v11 =	vld [tilespmem:s19+$0xFFFFFFC0]  }
0x300: {  	s1 =	sadd.s32 $0x100, s1;
	v12 =	vld [tilespmem:s19+$0xFFFFFFD0]  }
0x301: {  	v13 =	vld [tilespmem:s19+$0xFFFFFFE0];
	[tilespmem:s1+$0x70] =	vst v6  }
0x302: {  	v6 =	vld [tilespmem:s19+$0xFFFFFFF0]  }
0x303: {  	v14 =	vld [tilespmem:s19+$0xFFFFFF10]  }
0x304: {  	v0 =	vld.idx.msk [tilespmem:v0+s3+$0x0], $0xffff  }
0x305: {  	v1 =	vld.idx.msk [tilespmem:v1+s3+$0x0], $0xffff  }
0x306: {  	v2 =	vld.idx.msk [tilespmem:v2+s3+$0x0], $0xffff  }
0x307: {  	v3 =	vld.idx.msk [tilespmem:v3+s3+$0x0], $0xffff  }
0x308: {  	v4 =	vld.idx.msk [tilespmem:v4+s3+$0x0], $0xffff  }
0x309: {  	v5 =	vld.idx.msk [tilespmem:v5+s3+$0x0], $0xffff  }
0x30a: {  	[tilespmem:s1+$0xFFFFFF90] =	vst v0;
	v7 =	vld.idx.msk [tilespmem:v7+s3+$0x0], $0xffff  }
0x30b: {  	v14 =	vld.idx.msk [tilespmem:v14+s3+$0x0], $0xffff;
	[tilespmem:s1+$0xFFFFFFA0] =	vst v1  }
0x30c: {  	[tilespmem:s1+$0xFFFFFFB0] =	vst v2;
	v8 =	vld.idx.msk [tilespmem:v8+s3+$0x0], $0xffff  }
0x30d: {  	[tilespmem:s1+$0xFFFFFFC0] =	vst v3;
	v0 =	vld.idx.msk [tilespmem:v9+s3+$0x0], $0xffff  }
.Ltmp11:
0x30e: {  	[tilespmem:s1+$0xFFFFFFD0] =	vst v4;
	v1 =	vld.idx.msk [tilespmem:v10+s3+$0x0], $0xffff;
	(pc) =	sbr.rel @p1 .LBB2_20-.Ltmp11, $4  }
0x30f: {  	[tilespmem:s1+$0xFFFFFFE0] =	vst v5;
	v2 =	vld.idx.msk [tilespmem:v11+s3+$0x0], $0xffff  }
0x310: {  	[tilespmem:s1+$0xFFFFFFF0] =	vst v7;
	v3 =	vld.idx.msk [tilespmem:v12+s3+$0x0], $0xffff  }
0x311: {  	[tilespmem:s1+$0xFFFFFF80] =	vst v14;
	v4 =	vld.idx.msk [tilespmem:v13+s3+$0x0], $0xffff  }
0x312: {  	s19 =	sadd.s32 $0x100, s19;
	[tilespmem:s1+$0x0] =	vst v8;
	v5 =	vld.idx.msk [tilespmem:v6+s3+$0x0], $0xffff  }
0x313: {  	[tilespmem:s1+$0x10] =	vst v0  }
0x314: {  	[tilespmem:s1+$0x20] =	vst v1  }
0x315: {  	[tilespmem:s1+$0x30] =	vst v2  }
0x316: {  	[tilespmem:s1+$0x40] =	vst v3  }
0x317: {  	[tilespmem:s1+$0x50] =	vst v4  }
0x318: {  	[tilespmem:s1+$0x60] =	vst v5  }
0x319: {  	[hbm4b:s16+s26] =	stream.strided.scatter [tilespmem:s31], [sflag:$0x1], $0x1000, s28, s26, $0x38;
	[tilespmem:$0x1E700] =	vst v63  }
0x31a: {  	_ =	swait.ge [sflag:s0], $0x1000  }
0x31b: {  	[sflag:s0] =	ssyncset.done $0x0  }
0x31c: {  	s25 =	simm.s32 $0x1A7F0;
	[sflag:s0] =	ssyncadd.s32 $0xFFFFF000  }
0x31d: {  	v0 =	vld [tilespmem:s25+$0x0]  }
0x31e: {  	v1 =	vld [tilespmem:s25+$0xFFFFFF20]  }
0x31f: {  	v2 =	vld [tilespmem:s25+$0xFFFFFF30]  }
0x320: {  	v3 =	vld [tilespmem:s25+$0xFFFFFF40]  }
0x321: {  	v4 =	vld [tilespmem:s25+$0xFFFFFF50]  }
0x322: {  	v5 =	vld [tilespmem:s25+$0xFFFFFF60]  }
0x323: {  	v6 =	vld [tilespmem:s25+$0xFFFFFF70]  }
0x324: {  	v7 =	vld [tilespmem:s25+$0xFFFFFF80]  }
0x325: {  	v8 =	vld [tilespmem:s25+$0xFFFFFF90]  }
0x326: {  	v9 =	vld [tilespmem:s25+$0xFFFFFFA0]  }
0x327: {  	v10 =	vld [tilespmem:s25+$0xFFFFFFB0]  }
0x328: {  	v11 =	vld [tilespmem:s25+$0xFFFFFFC0]  }
0x329: {  	v12 =	vld [tilespmem:s25+$0xFFFFFFD0]  }
0x32a: {  	v13 =	vld [tilespmem:s25+$0xFFFFFFE0]  }
0x32b: {  	v14 =	vld [tilespmem:s25+$0xFFFFFFF0]  }
0x32c: {  	v15 =	vld [tilespmem:s25+$0xFFFFFF10]  }
0x32d: {  	v0 =	vld.idx.msk [tilespmem:v0+s3+$0x0], $0xffff  }
0x32e: {  	v1 =	vld.idx.msk [tilespmem:v1+s3+$0x0], $0xffff  }
0x32f: {  	v2 =	vld.idx.msk [tilespmem:v2+s3+$0x0], $0xffff  }
0x330: {  	v3 =	vld.idx.msk [tilespmem:v3+s3+$0x0], $0xffff  }
0x331: {  	v4 =	vld.idx.msk [tilespmem:v4+s3+$0x0], $0xffff  }
0x332: {  	s1 =	simm.s32 $0x1C780;
	v5 =	vld.idx.msk [tilespmem:v5+s3+$0x0], $0xffff  }
0x333: {  	v6 =	vld.idx.msk [tilespmem:v6+s3+$0x0], $0xffff;
	[tilespmem:s1+$0x70] =	vst v0  }
0x334: {  	v7 =	vld.idx.msk [tilespmem:v7+s3+$0x0], $0xffff;
	[tilespmem:s1+$0xFFFFFF90] =	vst v1  }
0x335: {  	v15 =	vld.idx.msk [tilespmem:v15+s3+$0x0], $0xffff;
	[tilespmem:s1+$0xFFFFFFA0] =	vst v2  }
0x336: {  	v8 =	vld.idx.msk [tilespmem:v8+s3+$0x0], $0xffff;
	[tilespmem:s1+$0xFFFFFFB0] =	vst v3  }
0x337: {  	[tilespmem:s1+$0xFFFFFFC0] =	vst v4;
	v0 =	vld.idx.msk [tilespmem:v9+s3+$0x0], $0xffff  }
0x338: {  	[tilespmem:s1+$0xFFFFFFD0] =	vst v5;
	v1 =	vld.idx.msk [tilespmem:v10+s3+$0x0], $0xffff  }
0x339: {  	[tilespmem:s1+$0xFFFFFFE0] =	vst v6;
	v2 =	vld.idx.msk [tilespmem:v11+s3+$0x0], $0xffff  }
0x33a: {  	[tilespmem:s1+$0xFFFFFFF0] =	vst v7;
	v3 =	vld.idx.msk [tilespmem:v12+s3+$0x0], $0xffff  }
0x33b: {  	[tilespmem:s1+$0xFFFFFF80] =	vst v15;
	v4 =	vld.idx.msk [tilespmem:v13+s3+$0x0], $0xffff  }
0x33c: {  	s19 =	simm.s32 $0x1A8F0;
	s25 =	simm.s32 $0x0;
	[tilespmem:s1+$0x0] =	vst v8;
	v5 =	vld.idx.msk [tilespmem:v14+s3+$0x0], $0xffff  }
.LBB2_22:
0x33d: {  	v6 =	vld [tilespmem:s19+$0x0];
	s25 =	sadd.s32 $0x100, s25;
	[tilespmem:s1+$0x10] =	vst v0  }
0x33e: {  	v0 =	vld [tilespmem:s19+$0xFFFFFF20];
	p1 =	slt.u32 s25, $0xF00;
	[tilespmem:s1+$0x20] =	vst v1  }
0x33f: {  	v1 =	vld [tilespmem:s19+$0xFFFFFF30];
	[tilespmem:s1+$0x30] =	vst v2  }
0x340: {  	v2 =	vld [tilespmem:s19+$0xFFFFFF40];
	[tilespmem:s1+$0x40] =	vst v3  }
0x341: {  	v3 =	vld [tilespmem:s19+$0xFFFFFF50];
	[tilespmem:s1+$0x50] =	vst v4  }
0x342: {  	v4 =	vld [tilespmem:s19+$0xFFFFFF60];
	[tilespmem:s1+$0x60] =	vst v5  }
0x343: {  	v5 =	vld [tilespmem:s19+$0xFFFFFF70]  }
0x344: {  	v7 =	vld [tilespmem:s19+$0xFFFFFF80]  }
0x345: {  	v6 =	vld.idx.msk [tilespmem:v6+s3+$0x0], $0xffff  }
0x346: {  	v8 =	vld [tilespmem:s19+$0xFFFFFF90]  }
0x347: {  	v9 =	vld [tilespmem:s19+$0xFFFFFFA0]  }
0x348: {  	v10 =	vld [tilespmem:s19+$0xFFFFFFB0]  }
0x349: {  	v11 =	vld [tilespmem:s19+$0xFFFFFFC0]  }
0x34a: {  	s1 =	sadd.s32 $0x100, s1;
	v12 =	vld [tilespmem:s19+$0xFFFFFFD0]  }
0x34b: {  	v13 =	vld [tilespmem:s19+$0xFFFFFFE0];
	[tilespmem:s1+$0x70] =	vst v6  }
0x34c: {  	v6 =	vld [tilespmem:s19+$0xFFFFFFF0]  }
0x34d: {  	v14 =	vld [tilespmem:s19+$0xFFFFFF10]  }
0x34e: {  	v0 =	vld.idx.msk [tilespmem:v0+s3+$0x0], $0xffff  }
0x34f: {  	v1 =	vld.idx.msk [tilespmem:v1+s3+$0x0], $0xffff  }
0x350: {  	v2 =	vld.idx.msk [tilespmem:v2+s3+$0x0], $0xffff  }
0x351: {  	v3 =	vld.idx.msk [tilespmem:v3+s3+$0x0], $0xffff  }
0x352: {  	v4 =	vld.idx.msk [tilespmem:v4+s3+$0x0], $0xffff  }
0x353: {  	v5 =	vld.idx.msk [tilespmem:v5+s3+$0x0], $0xffff  }
0x354: {  	[tilespmem:s1+$0xFFFFFF90] =	vst v0;
	v7 =	vld.idx.msk [tilespmem:v7+s3+$0x0], $0xffff  }
0x355: {  	v14 =	vld.idx.msk [tilespmem:v14+s3+$0x0], $0xffff;
	[tilespmem:s1+$0xFFFFFFA0] =	vst v1  }
0x356: {  	[tilespmem:s1+$0xFFFFFFB0] =	vst v2;
	v8 =	vld.idx.msk [tilespmem:v8+s3+$0x0], $0xffff  }
0x357: {  	[tilespmem:s1+$0xFFFFFFC0] =	vst v3;
	v0 =	vld.idx.msk [tilespmem:v9+s3+$0x0], $0xffff  }
.Ltmp12:
0x358: {  	[tilespmem:s1+$0xFFFFFFD0] =	vst v4;
	v1 =	vld.idx.msk [tilespmem:v10+s3+$0x0], $0xffff;
	(pc) =	sbr.rel @p1 .LBB2_22-.Ltmp12, $4  }
0x359: {  	[tilespmem:s1+$0xFFFFFFE0] =	vst v5;
	v2 =	vld.idx.msk [tilespmem:v11+s3+$0x0], $0xffff  }
0x35a: {  	[tilespmem:s1+$0xFFFFFFF0] =	vst v7;
	v3 =	vld.idx.msk [tilespmem:v12+s3+$0x0], $0xffff  }
0x35b: {  	[tilespmem:s1+$0xFFFFFF80] =	vst v14;
	v4 =	vld.idx.msk [tilespmem:v13+s3+$0x0], $0xffff  }
0x35c: {  	s19 =	sadd.s32 $0x100, s19;
	[tilespmem:s1+$0x0] =	vst v8;
	v5 =	vld.idx.msk [tilespmem:v6+s3+$0x0], $0xffff  }
0x35d: {  	[tilespmem:s1+$0x10] =	vst v0  }
0x35e: {  	[tilespmem:s1+$0x20] =	vst v1  }
0x35f: {  	[tilespmem:s1+$0x30] =	vst v2  }
0x360: {  	[tilespmem:s1+$0x40] =	vst v3  }
0x361: {  	[tilespmem:s1+$0x50] =	vst v4  }
0x362: {  	[tilespmem:s1+$0x60] =	vst v5  }
0x363: {  	[hbm4b:s17+s26] =	stream.strided.scatter [tilespmem:s30], [sflag:$0x1], $0x1000, s28, s26, $0x38;
	[tilespmem:$0x1E700] =	vst v63  }
0x364: {  	_ =	swait.ge [sflag:s0], $0x1000  }
0x365: {  	[sflag:s0] =	ssyncset.done $0x0  }
0x366: {  	s25 =	simm.s32 $0x1B7F0;
	[sflag:s0] =	ssyncadd.s32 $0xFFFFF000  }
0x367: {  	v0 =	vld [tilespmem:s25+$0x0]  }
0x368: {  	v1 =	vld [tilespmem:s25+$0xFFFFFF20]  }
0x369: {  	v2 =	vld [tilespmem:s25+$0xFFFFFF30]  }
0x36a: {  	v3 =	vld [tilespmem:s25+$0xFFFFFF40]  }
0x36b: {  	v4 =	vld [tilespmem:s25+$0xFFFFFF50]  }
0x36c: {  	v5 =	vld [tilespmem:s25+$0xFFFFFF60]  }
0x36d: {  	v6 =	vld [tilespmem:s25+$0xFFFFFF70]  }
0x36e: {  	v7 =	vld [tilespmem:s25+$0xFFFFFF80]  }
0x36f: {  	v8 =	vld [tilespmem:s25+$0xFFFFFF90]  }
0x370: {  	v9 =	vld [tilespmem:s25+$0xFFFFFFA0]  }
0x371: {  	v10 =	vld [tilespmem:s25+$0xFFFFFFB0]  }
0x372: {  	v11 =	vld [tilespmem:s25+$0xFFFFFFC0]  }
0x373: {  	v12 =	vld [tilespmem:s25+$0xFFFFFFD0]  }
0x374: {  	v13 =	vld [tilespmem:s25+$0xFFFFFFE0]  }
0x375: {  	v14 =	vld [tilespmem:s25+$0xFFFFFFF0]  }
0x376: {  	v15 =	vld [tilespmem:s25+$0xFFFFFF10]  }
0x377: {  	v0 =	vld.idx.msk [tilespmem:v0+s3+$0x0], $0xffff  }
0x378: {  	v1 =	vld.idx.msk [tilespmem:v1+s3+$0x0], $0xffff  }
0x379: {  	v2 =	vld.idx.msk [tilespmem:v2+s3+$0x0], $0xffff  }
0x37a: {  	v3 =	vld.idx.msk [tilespmem:v3+s3+$0x0], $0xffff  }
0x37b: {  	v4 =	vld.idx.msk [tilespmem:v4+s3+$0x0], $0xffff  }
0x37c: {  	s1 =	simm.s32 $0x1D780;
	v5 =	vld.idx.msk [tilespmem:v5+s3+$0x0], $0xffff  }
0x37d: {  	v6 =	vld.idx.msk [tilespmem:v6+s3+$0x0], $0xffff;
	[tilespmem:s1+$0x70] =	vst v0  }
0x37e: {  	v7 =	vld.idx.msk [tilespmem:v7+s3+$0x0], $0xffff;
	[tilespmem:s1+$0xFFFFFF90] =	vst v1  }
0x37f: {  	v15 =	vld.idx.msk [tilespmem:v15+s3+$0x0], $0xffff;
	[tilespmem:s1+$0xFFFFFFA0] =	vst v2  }
0x380: {  	v8 =	vld.idx.msk [tilespmem:v8+s3+$0x0], $0xffff;
	[tilespmem:s1+$0xFFFFFFB0] =	vst v3  }
0x381: {  	[tilespmem:s1+$0xFFFFFFC0] =	vst v4;
	v0 =	vld.idx.msk [tilespmem:v9+s3+$0x0], $0xffff  }
0x382: {  	[tilespmem:s1+$0xFFFFFFD0] =	vst v5;
	v1 =	vld.idx.msk [tilespmem:v10+s3+$0x0], $0xffff  }
0x383: {  	[tilespmem:s1+$0xFFFFFFE0] =	vst v6;
	v2 =	vld.idx.msk [tilespmem:v11+s3+$0x0], $0xffff  }
0x384: {  	[tilespmem:s1+$0xFFFFFFF0] =	vst v7;
	v3 =	vld.idx.msk [tilespmem:v12+s3+$0x0], $0xffff  }
0x385: {  	[tilespmem:s1+$0xFFFFFF80] =	vst v15;
	v4 =	vld.idx.msk [tilespmem:v13+s3+$0x0], $0xffff  }
0x386: {  	s19 =	simm.s32 $0x1B8F0;
	s25 =	simm.s32 $0x0;
	[tilespmem:s1+$0x0] =	vst v8;
	v5 =	vld.idx.msk [tilespmem:v14+s3+$0x0], $0xffff  }
.LBB2_24:
0x387: {  	v6 =	vld [tilespmem:s19+$0x0];
	s25 =	sadd.s32 $0x100, s25;
	[tilespmem:s1+$0x10] =	vst v0  }
0x388: {  	v0 =	vld [tilespmem:s19+$0xFFFFFF20];
	p1 =	slt.u32 s25, $0xF00;
	[tilespmem:s1+$0x20] =	vst v1  }
0x389: {  	v1 =	vld [tilespmem:s19+$0xFFFFFF30];
	[tilespmem:s1+$0x30] =	vst v2  }
0x38a: {  	v2 =	vld [tilespmem:s19+$0xFFFFFF40];
	[tilespmem:s1+$0x40] =	vst v3  }
0x38b: {  	v3 =	vld [tilespmem:s19+$0xFFFFFF50];
	[tilespmem:s1+$0x50] =	vst v4  }
0x38c: {  	v4 =	vld [tilespmem:s19+$0xFFFFFF60];
	[tilespmem:s1+$0x60] =	vst v5  }
0x38d: {  	v5 =	vld [tilespmem:s19+$0xFFFFFF70]  }
0x38e: {  	v7 =	vld [tilespmem:s19+$0xFFFFFF80]  }
0x38f: {  	v6 =	vld.idx.msk [tilespmem:v6+s3+$0x0], $0xffff  }
0x390: {  	v8 =	vld [tilespmem:s19+$0xFFFFFF90]  }
0x391: {  	v9 =	vld [tilespmem:s19+$0xFFFFFFA0]  }
0x392: {  	v10 =	vld [tilespmem:s19+$0xFFFFFFB0]  }
0x393: {  	v11 =	vld [tilespmem:s19+$0xFFFFFFC0]  }
0x394: {  	s1 =	sadd.s32 $0x100, s1;
	v12 =	vld [tilespmem:s19+$0xFFFFFFD0]  }
0x395: {  	v13 =	vld [tilespmem:s19+$0xFFFFFFE0];
	[tilespmem:s1+$0x70] =	vst v6  }
0x396: {  	v6 =	vld [tilespmem:s19+$0xFFFFFFF0]  }
0x397: {  	v14 =	vld [tilespmem:s19+$0xFFFFFF10]  }
0x398: {  	v0 =	vld.idx.msk [tilespmem:v0+s3+$0x0], $0xffff  }
0x399: {  	v1 =	vld.idx.msk [tilespmem:v1+s3+$0x0], $0xffff  }
0x39a: {  	v2 =	vld.idx.msk [tilespmem:v2+s3+$0x0], $0xffff  }
0x39b: {  	v3 =	vld.idx.msk [tilespmem:v3+s3+$0x0], $0xffff  }
0x39c: {  	v4 =	vld.idx.msk [tilespmem:v4+s3+$0x0], $0xffff  }
0x39d: {  	v5 =	vld.idx.msk [tilespmem:v5+s3+$0x0], $0xffff  }
0x39e: {  	[tilespmem:s1+$0xFFFFFF90] =	vst v0;
	v7 =	vld.idx.msk [tilespmem:v7+s3+$0x0], $0xffff  }
0x39f: {  	v14 =	vld.idx.msk [tilespmem:v14+s3+$0x0], $0xffff;
	[tilespmem:s1+$0xFFFFFFA0] =	vst v1  }
0x3a0: {  	[tilespmem:s1+$0xFFFFFFB0] =	vst v2;
	v8 =	vld.idx.msk [tilespmem:v8+s3+$0x0], $0xffff  }
0x3a1: {  	[tilespmem:s1+$0xFFFFFFC0] =	vst v3;
	v0 =	vld.idx.msk [tilespmem:v9+s3+$0x0], $0xffff  }
.Ltmp13:
0x3a2: {  	[tilespmem:s1+$0xFFFFFFD0] =	vst v4;
	v1 =	vld.idx.msk [tilespmem:v10+s3+$0x0], $0xffff;
	(pc) =	sbr.rel @p1 .LBB2_24-.Ltmp13, $4  }
0x3a3: {  	[tilespmem:s1+$0xFFFFFFE0] =	vst v5;
	v2 =	vld.idx.msk [tilespmem:v11+s3+$0x0], $0xffff  }
0x3a4: {  	[tilespmem:s1+$0xFFFFFFF0] =	vst v7;
	v3 =	vld.idx.msk [tilespmem:v12+s3+$0x0], $0xffff  }
0x3a5: {  	[tilespmem:s1+$0xFFFFFF80] =	vst v14;
	v4 =	vld.idx.msk [tilespmem:v13+s3+$0x0], $0xffff  }
0x3a6: {  	s19 =	sadd.s32 $0x100, s19;
	[tilespmem:s1+$0x0] =	vst v8;
	v5 =	vld.idx.msk [tilespmem:v6+s3+$0x0], $0xffff  }
0x3a7: {  	[tilespmem:s1+$0x10] =	vst v0  }
0x3a8: {  	[tilespmem:s1+$0x20] =	vst v1  }
.Ltmp14:
0x3a9: {  	[tilespmem:s1+$0x30] =	vst v2;
	(pc) =	sbr.rel @p0 .LBB2_35-.Ltmp14, $4  }
0x3aa: {  	[tilespmem:s1+$0x40] =	vst v3  }
0x3ab: {  	[tilespmem:s1+$0x50] =	vst v4  }
0x3ac: {  	[tilespmem:s1+$0x60] =	vst v5  }
0x3ad: {  	[hbm4b:s18+s26] =	stream.strided.scatter [tilespmem:s31], [sflag:$0x1], $0x1000, s28, s26, $0x38;
	[tilespmem:$0x1E700] =	vst v63  }
0x3ae: {  	s1 =	rddreg [dreg:$0x4]  }
0x3af: {  	[tilespmem:s3], [sflag:$0x2] =	stream.strided.gather [hbm4b:s1+s26], $0x18700, s28, s26, $0x38;
	[tilespmem:$0x1E700] =	vst v63  }
0x3b0: {  	_ =	swait.ge [sflag:s0], $0x1000  }
0x3b1: {  	[sflag:s0] =	ssyncset.done $0x0  }
0x3b2: {  	[sflag:s0] =	ssyncadd.s32 $0xFFFFF000  }
0x3b3: {  	_ =	swait.ge [sflag:s0], $0x1000  }
0x3b4: {  	[sflag:s0] =	ssyncset.done $0x0  }
0x3b5: {  	[sflag:s0] =	ssyncadd.s32 $0xFFFFF000  }
0x3b6: {  	_ =	swait.ge [sflag:s29], $0x18700  }
0x3b7: {  	[sflag:s29] =	ssyncset.done $0x0  }
0x3b8: {  	s25 =	simm.s32 $0x18780;
	[sflag:s29] =	ssyncadd.s32 $0xFFFE7900  }
0x3b9: {  	v0 =	vld [tilespmem:s25+$0x70]  }
0x3ba: {  	v1 =	vld [tilespmem:s25+$0xFFFFFF90]  }
0x3bb: {  	v2 =	vld [tilespmem:s25+$0xFFFFFFA0]  }
0x3bc: {  	v3 =	vld [tilespmem:s25+$0xFFFFFFB0]  }
0x3bd: {  	v4 =	vld [tilespmem:s25+$0xFFFFFFC0]  }
0x3be: {  	v5 =	vld [tilespmem:s25+$0xFFFFFFD0]  }
0x3bf: {  	v6 =	vld [tilespmem:s25+$0xFFFFFFE0]  }
0x3c0: {  	v7 =	vld [tilespmem:s25+$0xFFFFFFF0]  }
0x3c1: {  	v8 =	vld [tilespmem:s25+$0x0]  }
0x3c2: {  	v9 =	vld [tilespmem:s25+$0x10]  }
0x3c3: {  	v10 =	vld [tilespmem:s25+$0x20]  }
0x3c4: {  	v11 =	vld [tilespmem:s25+$0x30]  }
0x3c5: {  	v12 =	vld [tilespmem:s25+$0x40]  }
0x3c6: {  	v13 =	vld [tilespmem:s25+$0x50]  }
0x3c7: {  	v14 =	vld [tilespmem:s25+$0x60]  }
0x3c8: {  	v15 =	vld [tilespmem:s25+$0xFFFFFF80]  }
0x3c9: {  	v0 =	vld.idx.msk [tilespmem:v0+s3+$0x0], $0xffff  }
0x3ca: {  	v1 =	vld.idx.msk [tilespmem:v1+s3+$0x0], $0xffff  }
0x3cb: {  	v2 =	vld.idx.msk [tilespmem:v2+s3+$0x0], $0xffff  }
0x3cc: {  	v3 =	vld.idx.msk [tilespmem:v3+s3+$0x0], $0xffff  }
0x3cd: {  	v4 =	vld.idx.msk [tilespmem:v4+s3+$0x0], $0xffff  }
0x3ce: {  	s1 =	simm.s32 $0x1C780;
	v5 =	vld.idx.msk [tilespmem:v5+s3+$0x0], $0xffff  }
0x3cf: {  	v6 =	vld.idx.msk [tilespmem:v6+s3+$0x0], $0xffff;
	[tilespmem:s1+$0x70] =	vst v0  }
0x3d0: {  	v7 =	vld.idx.msk [tilespmem:v7+s3+$0x0], $0xffff;
	[tilespmem:s1+$0xFFFFFF90] =	vst v1  }
0x3d1: {  	v15 =	vld.idx.msk [tilespmem:v15+s3+$0x0], $0xffff;
	[tilespmem:s1+$0xFFFFFFA0] =	vst v2  }
0x3d2: {  	v8 =	vld.idx.msk [tilespmem:v8+s3+$0x0], $0xffff;
	[tilespmem:s1+$0xFFFFFFB0] =	vst v3  }
0x3d3: {  	[tilespmem:s1+$0xFFFFFFC0] =	vst v4;
	v0 =	vld.idx.msk [tilespmem:v9+s3+$0x0], $0xffff  }
0x3d4: {  	[tilespmem:s1+$0xFFFFFFD0] =	vst v5;
	v1 =	vld.idx.msk [tilespmem:v10+s3+$0x0], $0xffff  }
0x3d5: {  	[tilespmem:s1+$0xFFFFFFE0] =	vst v6;
	v2 =	vld.idx.msk [tilespmem:v11+s3+$0x0], $0xffff  }
0x3d6: {  	[tilespmem:s1+$0xFFFFFFF0] =	vst v7;
	v3 =	vld.idx.msk [tilespmem:v12+s3+$0x0], $0xffff  }
0x3d7: {  	[tilespmem:s1+$0xFFFFFF80] =	vst v15;
	v4 =	vld.idx.msk [tilespmem:v13+s3+$0x0], $0xffff  }
0x3d8: {  	s19 =	simm.s32 $0x18880;
	s25 =	simm.s32 $0x0;
	[tilespmem:s1+$0x0] =	vst v8;
	v5 =	vld.idx.msk [tilespmem:v14+s3+$0x0], $0xffff  }
.LBB2_27:
0x3d9: {  	v6 =	vld [tilespmem:s19+$0x70];
	s25 =	sadd.s32 $0x100, s25;
	[tilespmem:s1+$0x10] =	vst v0  }
0x3da: {  	v0 =	vld [tilespmem:s19+$0xFFFFFF90];
	p1 =	slt.u32 s25, $0xF00;
	[tilespmem:s1+$0x20] =	vst v1  }
0x3db: {  	v1 =	vld [tilespmem:s19+$0xFFFFFFA0];
	[tilespmem:s1+$0x30] =	vst v2  }
0x3dc: {  	v2 =	vld [tilespmem:s19+$0xFFFFFFB0];
	[tilespmem:s1+$0x40] =	vst v3  }
0x3dd: {  	v3 =	vld [tilespmem:s19+$0xFFFFFFC0];
	[tilespmem:s1+$0x50] =	vst v4  }
0x3de: {  	v4 =	vld [tilespmem:s19+$0xFFFFFFD0];
	[tilespmem:s1+$0x60] =	vst v5  }
0x3df: {  	v5 =	vld [tilespmem:s19+$0xFFFFFFE0]  }
0x3e0: {  	v7 =	vld [tilespmem:s19+$0xFFFFFFF0]  }
0x3e1: {  	v6 =	vld.idx.msk [tilespmem:v6+s3+$0x0], $0xffff  }
0x3e2: {  	v8 =	vld [tilespmem:s19+$0x0]  }
0x3e3: {  	v9 =	vld [tilespmem:s19+$0x10]  }
0x3e4: {  	v10 =	vld [tilespmem:s19+$0x20]  }
0x3e5: {  	v11 =	vld [tilespmem:s19+$0x30]  }
0x3e6: {  	s1 =	sadd.s32 $0x100, s1;
	v12 =	vld [tilespmem:s19+$0x40]  }
0x3e7: {  	v13 =	vld [tilespmem:s19+$0x50];
	[tilespmem:s1+$0x70] =	vst v6  }
0x3e8: {  	v6 =	vld [tilespmem:s19+$0x60]  }
0x3e9: {  	v14 =	vld [tilespmem:s19+$0xFFFFFF80]  }
0x3ea: {  	v0 =	vld.idx.msk [tilespmem:v0+s3+$0x0], $0xffff  }
0x3eb: {  	v1 =	vld.idx.msk [tilespmem:v1+s3+$0x0], $0xffff  }
0x3ec: {  	v2 =	vld.idx.msk [tilespmem:v2+s3+$0x0], $0xffff  }
0x3ed: {  	v3 =	vld.idx.msk [tilespmem:v3+s3+$0x0], $0xffff  }
0x3ee: {  	v4 =	vld.idx.msk [tilespmem:v4+s3+$0x0], $0xffff  }
0x3ef: {  	v5 =	vld.idx.msk [tilespmem:v5+s3+$0x0], $0xffff  }
0x3f0: {  	[tilespmem:s1+$0xFFFFFF90] =	vst v0;
	v7 =	vld.idx.msk [tilespmem:v7+s3+$0x0], $0xffff  }
0x3f1: {  	v14 =	vld.idx.msk [tilespmem:v14+s3+$0x0], $0xffff;
	[tilespmem:s1+$0xFFFFFFA0] =	vst v1  }
0x3f2: {  	[tilespmem:s1+$0xFFFFFFB0] =	vst v2;
	v8 =	vld.idx.msk [tilespmem:v8+s3+$0x0], $0xffff  }
0x3f3: {  	[tilespmem:s1+$0xFFFFFFC0] =	vst v3;
	v0 =	vld.idx.msk [tilespmem:v9+s3+$0x0], $0xffff  }
.Ltmp15:
0x3f4: {  	[tilespmem:s1+$0xFFFFFFD0] =	vst v4;
	v1 =	vld.idx.msk [tilespmem:v10+s3+$0x0], $0xffff;
	(pc) =	sbr.rel @p1 .LBB2_27-.Ltmp15, $4  }
0x3f5: {  	[tilespmem:s1+$0xFFFFFFE0] =	vst v5;
	v2 =	vld.idx.msk [tilespmem:v11+s3+$0x0], $0xffff  }
0x3f6: {  	[tilespmem:s1+$0xFFFFFFF0] =	vst v7;
	v3 =	vld.idx.msk [tilespmem:v12+s3+$0x0], $0xffff  }
0x3f7: {  	[tilespmem:s1+$0xFFFFFF80] =	vst v14;
	v4 =	vld.idx.msk [tilespmem:v13+s3+$0x0], $0xffff  }
0x3f8: {  	s19 =	sadd.s32 $0x100, s19;
	[tilespmem:s1+$0x0] =	vst v8;
	v5 =	vld.idx.msk [tilespmem:v6+s3+$0x0], $0xffff  }
0x3f9: {  	[tilespmem:s1+$0x10] =	vst v0  }
0x3fa: {  	[tilespmem:s1+$0x20] =	vst v1  }
0x3fb: {  	[tilespmem:s1+$0x30] =	vst v2  }
0x3fc: {  	[tilespmem:s1+$0x40] =	vst v3  }
0x3fd: {  	[tilespmem:s1+$0x50] =	vst v4  }
0x3fe: {  	s25 =	simm.s32 $0x197F0;
	[tilespmem:s1+$0x60] =	vst v5  }
0x3ff: {  	[hbm4b:s20+s26] =	stream.strided.scatter [tilespmem:s30], [sflag:$0x1], $0x1000, s28, s26, $0x38;
	[tilespmem:$0x1E700] =	vst v63  }
0x400: {  	v0 =	vld [tilespmem:s25+$0x0]  }
0x401: {  	v1 =	vld [tilespmem:s25+$0xFFFFFF20]  }
0x402: {  	v2 =	vld [tilespmem:s25+$0xFFFFFF30]  }
0x403: {  	v3 =	vld [tilespmem:s25+$0xFFFFFF40]  }
0x404: {  	v4 =	vld [tilespmem:s25+$0xFFFFFF50]  }
0x405: {  	v5 =	vld [tilespmem:s25+$0xFFFFFF60]  }
0x406: {  	v6 =	vld [tilespmem:s25+$0xFFFFFF70]  }
0x407: {  	v7 =	vld [tilespmem:s25+$0xFFFFFF80]  }
0x408: {  	v8 =	vld [tilespmem:s25+$0xFFFFFF90]  }
0x409: {  	v9 =	vld [tilespmem:s25+$0xFFFFFFA0]  }
0x40a: {  	v10 =	vld [tilespmem:s25+$0xFFFFFFB0]  }
0x40b: {  	v11 =	vld [tilespmem:s25+$0xFFFFFFC0]  }
0x40c: {  	v12 =	vld [tilespmem:s25+$0xFFFFFFD0]  }
0x40d: {  	v13 =	vld [tilespmem:s25+$0xFFFFFFE0]  }
0x40e: {  	v14 =	vld [tilespmem:s25+$0xFFFFFFF0]  }
0x40f: {  	v15 =	vld [tilespmem:s25+$0xFFFFFF10]  }
0x410: {  	v0 =	vld.idx.msk [tilespmem:v0+s3+$0x0], $0xffff  }
0x411: {  	v1 =	vld.idx.msk [tilespmem:v1+s3+$0x0], $0xffff  }
0x412: {  	v2 =	vld.idx.msk [tilespmem:v2+s3+$0x0], $0xffff  }
0x413: {  	v3 =	vld.idx.msk [tilespmem:v3+s3+$0x0], $0xffff  }
0x414: {  	v4 =	vld.idx.msk [tilespmem:v4+s3+$0x0], $0xffff  }
0x415: {  	s1 =	simm.s32 $0x1D780;
	v5 =	vld.idx.msk [tilespmem:v5+s3+$0x0], $0xffff  }
0x416: {  	v6 =	vld.idx.msk [tilespmem:v6+s3+$0x0], $0xffff;
	[tilespmem:s1+$0x70] =	vst v0  }
0x417: {  	v7 =	vld.idx.msk [tilespmem:v7+s3+$0x0], $0xffff;
	[tilespmem:s1+$0xFFFFFF90] =	vst v1  }
0x418: {  	v15 =	vld.idx.msk [tilespmem:v15+s3+$0x0], $0xffff;
	[tilespmem:s1+$0xFFFFFFA0] =	vst v2  }
0x419: {  	v8 =	vld.idx.msk [tilespmem:v8+s3+$0x0], $0xffff;
	[tilespmem:s1+$0xFFFFFFB0] =	vst v3  }
0x41a: {  	[tilespmem:s1+$0xFFFFFFC0] =	vst v4;
	v0 =	vld.idx.msk [tilespmem:v9+s3+$0x0], $0xffff  }
0x41b: {  	[tilespmem:s1+$0xFFFFFFD0] =	vst v5;
	v1 =	vld.idx.msk [tilespmem:v10+s3+$0x0], $0xffff  }
0x41c: {  	[tilespmem:s1+$0xFFFFFFE0] =	vst v6;
	v2 =	vld.idx.msk [tilespmem:v11+s3+$0x0], $0xffff  }
0x41d: {  	[tilespmem:s1+$0xFFFFFFF0] =	vst v7;
	v3 =	vld.idx.msk [tilespmem:v12+s3+$0x0], $0xffff  }
0x41e: {  	[tilespmem:s1+$0xFFFFFF80] =	vst v15;
	v4 =	vld.idx.msk [tilespmem:v13+s3+$0x0], $0xffff  }
0x41f: {  	s19 =	simm.s32 $0x198F0;
	s25 =	simm.s32 $0x0;
	[tilespmem:s1+$0x0] =	vst v8;
	v5 =	vld.idx.msk [tilespmem:v14+s3+$0x0], $0xffff  }
.LBB2_29:
0x420: {  	v6 =	vld [tilespmem:s19+$0x0];
	s25 =	sadd.s32 $0x100, s25;
	[tilespmem:s1+$0x10] =	vst v0  }
0x421: {  	v0 =	vld [tilespmem:s19+$0xFFFFFF20];
	p1 =	slt.u32 s25, $0xF00;
	[tilespmem:s1+$0x20] =	vst v1  }
0x422: {  	v1 =	vld [tilespmem:s19+$0xFFFFFF30];
	[tilespmem:s1+$0x30] =	vst v2  }
0x423: {  	v2 =	vld [tilespmem:s19+$0xFFFFFF40];
	[tilespmem:s1+$0x40] =	vst v3  }
0x424: {  	v3 =	vld [tilespmem:s19+$0xFFFFFF50];
	[tilespmem:s1+$0x50] =	vst v4  }
0x425: {  	v4 =	vld [tilespmem:s19+$0xFFFFFF60];
	[tilespmem:s1+$0x60] =	vst v5  }
0x426: {  	v5 =	vld [tilespmem:s19+$0xFFFFFF70]  }
0x427: {  	v7 =	vld [tilespmem:s19+$0xFFFFFF80]  }
0x428: {  	v6 =	vld.idx.msk [tilespmem:v6+s3+$0x0], $0xffff  }
0x429: {  	v8 =	vld [tilespmem:s19+$0xFFFFFF90]  }
0x42a: {  	v9 =	vld [tilespmem:s19+$0xFFFFFFA0]  }
0x42b: {  	v10 =	vld [tilespmem:s19+$0xFFFFFFB0]  }
0x42c: {  	v11 =	vld [tilespmem:s19+$0xFFFFFFC0]  }
0x42d: {  	s1 =	sadd.s32 $0x100, s1;
	v12 =	vld [tilespmem:s19+$0xFFFFFFD0]  }
0x42e: {  	v13 =	vld [tilespmem:s19+$0xFFFFFFE0];
	[tilespmem:s1+$0x70] =	vst v6  }
0x42f: {  	v6 =	vld [tilespmem:s19+$0xFFFFFFF0]  }
0x430: {  	v14 =	vld [tilespmem:s19+$0xFFFFFF10]  }
0x431: {  	v0 =	vld.idx.msk [tilespmem:v0+s3+$0x0], $0xffff  }
0x432: {  	v1 =	vld.idx.msk [tilespmem:v1+s3+$0x0], $0xffff  }
0x433: {  	v2 =	vld.idx.msk [tilespmem:v2+s3+$0x0], $0xffff  }
0x434: {  	v3 =	vld.idx.msk [tilespmem:v3+s3+$0x0], $0xffff  }
0x435: {  	v4 =	vld.idx.msk [tilespmem:v4+s3+$0x0], $0xffff  }
0x436: {  	v5 =	vld.idx.msk [tilespmem:v5+s3+$0x0], $0xffff  }
0x437: {  	[tilespmem:s1+$0xFFFFFF90] =	vst v0;
	v7 =	vld.idx.msk [tilespmem:v7+s3+$0x0], $0xffff  }
0x438: {  	v14 =	vld.idx.msk [tilespmem:v14+s3+$0x0], $0xffff;
	[tilespmem:s1+$0xFFFFFFA0] =	vst v1  }
0x439: {  	[tilespmem:s1+$0xFFFFFFB0] =	vst v2;
	v8 =	vld.idx.msk [tilespmem:v8+s3+$0x0], $0xffff  }
0x43a: {  	[tilespmem:s1+$0xFFFFFFC0] =	vst v3;
	v0 =	vld.idx.msk [tilespmem:v9+s3+$0x0], $0xffff  }
.Ltmp16:
0x43b: {  	[tilespmem:s1+$0xFFFFFFD0] =	vst v4;
	v1 =	vld.idx.msk [tilespmem:v10+s3+$0x0], $0xffff;
	(pc) =	sbr.rel @p1 .LBB2_29-.Ltmp16, $4  }
0x43c: {  	[tilespmem:s1+$0xFFFFFFE0] =	vst v5;
	v2 =	vld.idx.msk [tilespmem:v11+s3+$0x0], $0xffff  }
0x43d: {  	[tilespmem:s1+$0xFFFFFFF0] =	vst v7;
	v3 =	vld.idx.msk [tilespmem:v12+s3+$0x0], $0xffff  }
0x43e: {  	[tilespmem:s1+$0xFFFFFF80] =	vst v14;
	v4 =	vld.idx.msk [tilespmem:v13+s3+$0x0], $0xffff  }
0x43f: {  	s19 =	sadd.s32 $0x100, s19;
	[tilespmem:s1+$0x0] =	vst v8;
	v5 =	vld.idx.msk [tilespmem:v6+s3+$0x0], $0xffff  }
0x440: {  	[tilespmem:s1+$0x10] =	vst v0  }
0x441: {  	[tilespmem:s1+$0x20] =	vst v1  }
0x442: {  	[tilespmem:s1+$0x30] =	vst v2  }
0x443: {  	[tilespmem:s1+$0x40] =	vst v3  }
0x444: {  	[tilespmem:s1+$0x50] =	vst v4  }
0x445: {  	[tilespmem:s1+$0x60] =	vst v5  }
0x446: {  	[hbm4b:s21+s26] =	stream.strided.scatter [tilespmem:s31], [sflag:$0x1], $0x1000, s28, s26, $0x38;
	[tilespmem:$0x1E700] =	vst v63  }
0x447: {  	_ =	swait.ge [sflag:s0], $0x1000  }
0x448: {  	[sflag:s0] =	ssyncset.done $0x0  }
0x449: {  	s25 =	simm.s32 $0x1A7F0;
	[sflag:s0] =	ssyncadd.s32 $0xFFFFF000  }
0x44a: {  	v0 =	vld [tilespmem:s25+$0x0]  }
0x44b: {  	v1 =	vld [tilespmem:s25+$0xFFFFFF20]  }
0x44c: {  	v2 =	vld [tilespmem:s25+$0xFFFFFF30]  }
0x44d: {  	v3 =	vld [tilespmem:s25+$0xFFFFFF40]  }
0x44e: {  	v4 =	vld [tilespmem:s25+$0xFFFFFF50]  }
0x44f: {  	v5 =	vld [tilespmem:s25+$0xFFFFFF60]  }
0x450: {  	v6 =	vld [tilespmem:s25+$0xFFFFFF70]  }
0x451: {  	v7 =	vld [tilespmem:s25+$0xFFFFFF80]  }
0x452: {  	v8 =	vld [tilespmem:s25+$0xFFFFFF90]  }
0x453: {  	v9 =	vld [tilespmem:s25+$0xFFFFFFA0]  }
0x454: {  	v10 =	vld [tilespmem:s25+$0xFFFFFFB0]  }
0x455: {  	v11 =	vld [tilespmem:s25+$0xFFFFFFC0]  }
0x456: {  	v12 =	vld [tilespmem:s25+$0xFFFFFFD0]  }
0x457: {  	v13 =	vld [tilespmem:s25+$0xFFFFFFE0]  }
0x458: {  	v14 =	vld [tilespmem:s25+$0xFFFFFFF0]  }
0x459: {  	v15 =	vld [tilespmem:s25+$0xFFFFFF10]  }
0x45a: {  	v0 =	vld.idx.msk [tilespmem:v0+s3+$0x0], $0xffff  }
0x45b: {  	v1 =	vld.idx.msk [tilespmem:v1+s3+$0x0], $0xffff  }
0x45c: {  	v2 =	vld.idx.msk [tilespmem:v2+s3+$0x0], $0xffff  }
0x45d: {  	v3 =	vld.idx.msk [tilespmem:v3+s3+$0x0], $0xffff  }
0x45e: {  	v4 =	vld.idx.msk [tilespmem:v4+s3+$0x0], $0xffff  }
0x45f: {  	s1 =	simm.s32 $0x1C780;
	v5 =	vld.idx.msk [tilespmem:v5+s3+$0x0], $0xffff  }
0x460: {  	v6 =	vld.idx.msk [tilespmem:v6+s3+$0x0], $0xffff;
	[tilespmem:s1+$0x70] =	vst v0  }
0x461: {  	v7 =	vld.idx.msk [tilespmem:v7+s3+$0x0], $0xffff;
	[tilespmem:s1+$0xFFFFFF90] =	vst v1  }
0x462: {  	v15 =	vld.idx.msk [tilespmem:v15+s3+$0x0], $0xffff;
	[tilespmem:s1+$0xFFFFFFA0] =	vst v2  }
0x463: {  	v8 =	vld.idx.msk [tilespmem:v8+s3+$0x0], $0xffff;
	[tilespmem:s1+$0xFFFFFFB0] =	vst v3  }
0x464: {  	[tilespmem:s1+$0xFFFFFFC0] =	vst v4;
	v0 =	vld.idx.msk [tilespmem:v9+s3+$0x0], $0xffff  }
0x465: {  	[tilespmem:s1+$0xFFFFFFD0] =	vst v5;
	v1 =	vld.idx.msk [tilespmem:v10+s3+$0x0], $0xffff  }
0x466: {  	[tilespmem:s1+$0xFFFFFFE0] =	vst v6;
	v2 =	vld.idx.msk [tilespmem:v11+s3+$0x0], $0xffff  }
0x467: {  	[tilespmem:s1+$0xFFFFFFF0] =	vst v7;
	v3 =	vld.idx.msk [tilespmem:v12+s3+$0x0], $0xffff  }
0x468: {  	[tilespmem:s1+$0xFFFFFF80] =	vst v15;
	v4 =	vld.idx.msk [tilespmem:v13+s3+$0x0], $0xffff  }
0x469: {  	s19 =	simm.s32 $0x1A8F0;
	s25 =	simm.s32 $0x0;
	[tilespmem:s1+$0x0] =	vst v8;
	v5 =	vld.idx.msk [tilespmem:v14+s3+$0x0], $0xffff  }
.LBB2_31:
0x46a: {  	v6 =	vld [tilespmem:s19+$0x0];
	s25 =	sadd.s32 $0x100, s25;
	[tilespmem:s1+$0x10] =	vst v0  }
0x46b: {  	v0 =	vld [tilespmem:s19+$0xFFFFFF20];
	p1 =	slt.u32 s25, $0xF00;
	[tilespmem:s1+$0x20] =	vst v1  }
0x46c: {  	v1 =	vld [tilespmem:s19+$0xFFFFFF30];
	[tilespmem:s1+$0x30] =	vst v2  }
0x46d: {  	v2 =	vld [tilespmem:s19+$0xFFFFFF40];
	[tilespmem:s1+$0x40] =	vst v3  }
0x46e: {  	v3 =	vld [tilespmem:s19+$0xFFFFFF50];
	[tilespmem:s1+$0x50] =	vst v4  }
0x46f: {  	v4 =	vld [tilespmem:s19+$0xFFFFFF60];
	[tilespmem:s1+$0x60] =	vst v5  }
0x470: {  	v5 =	vld [tilespmem:s19+$0xFFFFFF70]  }
0x471: {  	v7 =	vld [tilespmem:s19+$0xFFFFFF80]  }
0x472: {  	v6 =	vld.idx.msk [tilespmem:v6+s3+$0x0], $0xffff  }
0x473: {  	v8 =	vld [tilespmem:s19+$0xFFFFFF90]  }
0x474: {  	v9 =	vld [tilespmem:s19+$0xFFFFFFA0]  }
0x475: {  	v10 =	vld [tilespmem:s19+$0xFFFFFFB0]  }
0x476: {  	v11 =	vld [tilespmem:s19+$0xFFFFFFC0]  }
0x477: {  	s1 =	sadd.s32 $0x100, s1;
	v12 =	vld [tilespmem:s19+$0xFFFFFFD0]  }
0x478: {  	v13 =	vld [tilespmem:s19+$0xFFFFFFE0];
	[tilespmem:s1+$0x70] =	vst v6  }
0x479: {  	v6 =	vld [tilespmem:s19+$0xFFFFFFF0]  }
0x47a: {  	v14 =	vld [tilespmem:s19+$0xFFFFFF10]  }
0x47b: {  	v0 =	vld.idx.msk [tilespmem:v0+s3+$0x0], $0xffff  }
0x47c: {  	v1 =	vld.idx.msk [tilespmem:v1+s3+$0x0], $0xffff  }
0x47d: {  	v2 =	vld.idx.msk [tilespmem:v2+s3+$0x0], $0xffff  }
0x47e: {  	v3 =	vld.idx.msk [tilespmem:v3+s3+$0x0], $0xffff  }
0x47f: {  	v4 =	vld.idx.msk [tilespmem:v4+s3+$0x0], $0xffff  }
0x480: {  	v5 =	vld.idx.msk [tilespmem:v5+s3+$0x0], $0xffff  }
0x481: {  	[tilespmem:s1+$0xFFFFFF90] =	vst v0;
	v7 =	vld.idx.msk [tilespmem:v7+s3+$0x0], $0xffff  }
0x482: {  	v14 =	vld.idx.msk [tilespmem:v14+s3+$0x0], $0xffff;
	[tilespmem:s1+$0xFFFFFFA0] =	vst v1  }
0x483: {  	[tilespmem:s1+$0xFFFFFFB0] =	vst v2;
	v8 =	vld.idx.msk [tilespmem:v8+s3+$0x0], $0xffff  }
0x484: {  	[tilespmem:s1+$0xFFFFFFC0] =	vst v3;
	v0 =	vld.idx.msk [tilespmem:v9+s3+$0x0], $0xffff  }
.Ltmp17:
0x485: {  	[tilespmem:s1+$0xFFFFFFD0] =	vst v4;
	v1 =	vld.idx.msk [tilespmem:v10+s3+$0x0], $0xffff;
	(pc) =	sbr.rel @p1 .LBB2_31-.Ltmp17, $4  }
0x486: {  	[tilespmem:s1+$0xFFFFFFE0] =	vst v5;
	v2 =	vld.idx.msk [tilespmem:v11+s3+$0x0], $0xffff  }
0x487: {  	[tilespmem:s1+$0xFFFFFFF0] =	vst v7;
	v3 =	vld.idx.msk [tilespmem:v12+s3+$0x0], $0xffff  }
0x488: {  	[tilespmem:s1+$0xFFFFFF80] =	vst v14;
	v4 =	vld.idx.msk [tilespmem:v13+s3+$0x0], $0xffff  }
0x489: {  	s19 =	sadd.s32 $0x100, s19;
	[tilespmem:s1+$0x0] =	vst v8;
	v5 =	vld.idx.msk [tilespmem:v6+s3+$0x0], $0xffff  }
0x48a: {  	[tilespmem:s1+$0x10] =	vst v0  }
0x48b: {  	[tilespmem:s1+$0x20] =	vst v1  }
0x48c: {  	[tilespmem:s1+$0x30] =	vst v2  }
0x48d: {  	[tilespmem:s1+$0x40] =	vst v3  }
0x48e: {  	[tilespmem:s1+$0x50] =	vst v4  }
0x48f: {  	[tilespmem:s1+$0x60] =	vst v5  }
0x490: {  	[hbm4b:s22+s26] =	stream.strided.scatter [tilespmem:s30], [sflag:$0x1], $0x1000, s28, s26, $0x38;
	[tilespmem:$0x1E700] =	vst v63  }
0x491: {  	_ =	swait.ge [sflag:s0], $0x1000  }
0x492: {  	[sflag:s0] =	ssyncset.done $0x0  }
0x493: {  	s25 =	simm.s32 $0x1B7F0;
	[sflag:s0] =	ssyncadd.s32 $0xFFFFF000  }
0x494: {  	v0 =	vld [tilespmem:s25+$0x0]  }
0x495: {  	v1 =	vld [tilespmem:s25+$0xFFFFFF20]  }
0x496: {  	v2 =	vld [tilespmem:s25+$0xFFFFFF30]  }
0x497: {  	v3 =	vld [tilespmem:s25+$0xFFFFFF40]  }
0x498: {  	v4 =	vld [tilespmem:s25+$0xFFFFFF50]  }
0x499: {  	v5 =	vld [tilespmem:s25+$0xFFFFFF60]  }
0x49a: {  	v6 =	vld [tilespmem:s25+$0xFFFFFF70]  }
0x49b: {  	v7 =	vld [tilespmem:s25+$0xFFFFFF80]  }
0x49c: {  	v8 =	vld [tilespmem:s25+$0xFFFFFF90]  }
0x49d: {  	v9 =	vld [tilespmem:s25+$0xFFFFFFA0]  }
0x49e: {  	v10 =	vld [tilespmem:s25+$0xFFFFFFB0]  }
0x49f: {  	v11 =	vld [tilespmem:s25+$0xFFFFFFC0]  }
0x4a0: {  	v12 =	vld [tilespmem:s25+$0xFFFFFFD0]  }
0x4a1: {  	v13 =	vld [tilespmem:s25+$0xFFFFFFE0]  }
0x4a2: {  	v14 =	vld [tilespmem:s25+$0xFFFFFFF0]  }
0x4a3: {  	v15 =	vld [tilespmem:s25+$0xFFFFFF10]  }
0x4a4: {  	v0 =	vld.idx.msk [tilespmem:v0+s3+$0x0], $0xffff  }
0x4a5: {  	v1 =	vld.idx.msk [tilespmem:v1+s3+$0x0], $0xffff  }
0x4a6: {  	v2 =	vld.idx.msk [tilespmem:v2+s3+$0x0], $0xffff  }
0x4a7: {  	v3 =	vld.idx.msk [tilespmem:v3+s3+$0x0], $0xffff  }
0x4a8: {  	v4 =	vld.idx.msk [tilespmem:v4+s3+$0x0], $0xffff  }
0x4a9: {  	s1 =	simm.s32 $0x1D780;
	v5 =	vld.idx.msk [tilespmem:v5+s3+$0x0], $0xffff  }
0x4aa: {  	v6 =	vld.idx.msk [tilespmem:v6+s3+$0x0], $0xffff;
	[tilespmem:s1+$0x70] =	vst v0  }
0x4ab: {  	v7 =	vld.idx.msk [tilespmem:v7+s3+$0x0], $0xffff;
	[tilespmem:s1+$0xFFFFFF90] =	vst v1  }
0x4ac: {  	v15 =	vld.idx.msk [tilespmem:v15+s3+$0x0], $0xffff;
	[tilespmem:s1+$0xFFFFFFA0] =	vst v2  }
0x4ad: {  	v8 =	vld.idx.msk [tilespmem:v8+s3+$0x0], $0xffff;
	[tilespmem:s1+$0xFFFFFFB0] =	vst v3  }
0x4ae: {  	[tilespmem:s1+$0xFFFFFFC0] =	vst v4;
	v0 =	vld.idx.msk [tilespmem:v9+s3+$0x0], $0xffff  }
0x4af: {  	[tilespmem:s1+$0xFFFFFFD0] =	vst v5;
	v1 =	vld.idx.msk [tilespmem:v10+s3+$0x0], $0xffff  }
0x4b0: {  	[tilespmem:s1+$0xFFFFFFE0] =	vst v6;
	v2 =	vld.idx.msk [tilespmem:v11+s3+$0x0], $0xffff  }
0x4b1: {  	[tilespmem:s1+$0xFFFFFFF0] =	vst v7;
	v3 =	vld.idx.msk [tilespmem:v12+s3+$0x0], $0xffff  }
0x4b2: {  	[tilespmem:s1+$0xFFFFFF80] =	vst v15;
	v4 =	vld.idx.msk [tilespmem:v13+s3+$0x0], $0xffff  }
0x4b3: {  	s19 =	simm.s32 $0x1B8F0;
	s25 =	simm.s32 $0x0;
	[tilespmem:s1+$0x0] =	vst v8;
	v5 =	vld.idx.msk [tilespmem:v14+s3+$0x0], $0xffff  }
.LBB2_33:
0x4b4: {  	v6 =	vld [tilespmem:s19+$0x0];
	s25 =	sadd.s32 $0x100, s25;
	[tilespmem:s1+$0x10] =	vst v0  }
0x4b5: {  	v0 =	vld [tilespmem:s19+$0xFFFFFF20];
	p1 =	slt.u32 s25, $0xF00;
	[tilespmem:s1+$0x20] =	vst v1  }
0x4b6: {  	v1 =	vld [tilespmem:s19+$0xFFFFFF30];
	[tilespmem:s1+$0x30] =	vst v2  }
0x4b7: {  	v2 =	vld [tilespmem:s19+$0xFFFFFF40];
	[tilespmem:s1+$0x40] =	vst v3  }
0x4b8: {  	v3 =	vld [tilespmem:s19+$0xFFFFFF50];
	[tilespmem:s1+$0x50] =	vst v4  }
0x4b9: {  	v4 =	vld [tilespmem:s19+$0xFFFFFF60];
	[tilespmem:s1+$0x60] =	vst v5  }
0x4ba: {  	v5 =	vld [tilespmem:s19+$0xFFFFFF70]  }
0x4bb: {  	v7 =	vld [tilespmem:s19+$0xFFFFFF80]  }
0x4bc: {  	v6 =	vld.idx.msk [tilespmem:v6+s3+$0x0], $0xffff  }
0x4bd: {  	v8 =	vld [tilespmem:s19+$0xFFFFFF90]  }
0x4be: {  	v9 =	vld [tilespmem:s19+$0xFFFFFFA0]  }
0x4bf: {  	v10 =	vld [tilespmem:s19+$0xFFFFFFB0]  }
0x4c0: {  	v11 =	vld [tilespmem:s19+$0xFFFFFFC0]  }
0x4c1: {  	s1 =	sadd.s32 $0x100, s1;
	v12 =	vld [tilespmem:s19+$0xFFFFFFD0]  }
0x4c2: {  	v13 =	vld [tilespmem:s19+$0xFFFFFFE0];
	[tilespmem:s1+$0x70] =	vst v6  }
0x4c3: {  	v6 =	vld [tilespmem:s19+$0xFFFFFFF0]  }
0x4c4: {  	v14 =	vld [tilespmem:s19+$0xFFFFFF10]  }
0x4c5: {  	v0 =	vld.idx.msk [tilespmem:v0+s3+$0x0], $0xffff  }
0x4c6: {  	v1 =	vld.idx.msk [tilespmem:v1+s3+$0x0], $0xffff  }
0x4c7: {  	v2 =	vld.idx.msk [tilespmem:v2+s3+$0x0], $0xffff  }
0x4c8: {  	v3 =	vld.idx.msk [tilespmem:v3+s3+$0x0], $0xffff  }
0x4c9: {  	v4 =	vld.idx.msk [tilespmem:v4+s3+$0x0], $0xffff  }
0x4ca: {  	v5 =	vld.idx.msk [tilespmem:v5+s3+$0x0], $0xffff  }
0x4cb: {  	[tilespmem:s1+$0xFFFFFF90] =	vst v0;
	v7 =	vld.idx.msk [tilespmem:v7+s3+$0x0], $0xffff  }
0x4cc: {  	v14 =	vld.idx.msk [tilespmem:v14+s3+$0x0], $0xffff;
	[tilespmem:s1+$0xFFFFFFA0] =	vst v1  }
0x4cd: {  	[tilespmem:s1+$0xFFFFFFB0] =	vst v2;
	v8 =	vld.idx.msk [tilespmem:v8+s3+$0x0], $0xffff  }
0x4ce: {  	[tilespmem:s1+$0xFFFFFFC0] =	vst v3;
	v0 =	vld.idx.msk [tilespmem:v9+s3+$0x0], $0xffff  }
.Ltmp18:
0x4cf: {  	[tilespmem:s1+$0xFFFFFFD0] =	vst v4;
	v1 =	vld.idx.msk [tilespmem:v10+s3+$0x0], $0xffff;
	(pc) =	sbr.rel @p1 .LBB2_33-.Ltmp18, $4  }
0x4d0: {  	[tilespmem:s1+$0xFFFFFFE0] =	vst v5;
	v2 =	vld.idx.msk [tilespmem:v11+s3+$0x0], $0xffff  }
0x4d1: {  	[tilespmem:s1+$0xFFFFFFF0] =	vst v7;
	v3 =	vld.idx.msk [tilespmem:v12+s3+$0x0], $0xffff  }
0x4d2: {  	[tilespmem:s1+$0xFFFFFF80] =	vst v14;
	v4 =	vld.idx.msk [tilespmem:v13+s3+$0x0], $0xffff  }
0x4d3: {  	s19 =	sadd.s32 $0x100, s19;
	[tilespmem:s1+$0x0] =	vst v8;
	v5 =	vld.idx.msk [tilespmem:v6+s3+$0x0], $0xffff  }
.Ltmp19:
0x4d4: {  	_ = 	snop;
	(pc) =	sbr.rel .LBB2_34-.Ltmp19, $1  }
0x4d5: {  	_ =	sdelay $0x3  }
.LBB2_36:
0x4d6: {  	_ =	sfence.sel $0x180000  }
0x4d7: {  	[bflag:$0x0] =	sbarrier.arrive $0xFFFF  }
0x4d8: {  	_ =	strace $0x90000047  }
0x4d9: {  	s0 =	stileid.u32;
	[bflag:$0x2] =	sbarrier.arrive $0xFFFF  }
0x4da: {  	p0 =	sne.s32 s0, $0x0;
	s0 =	rddreg [dreg:$0x3]  }
0x4db: {  	s0 =	sadd.s32 @!p0 $0x100000, s0  }
0x4dc: {  	[sflag:s0] =	ssyncadd.tile.s32 @!p0 $0x1;
	_ =	shalt  }
.Lfunc_end2:
_tile_overlayer_lowered:
.L_overlay_start_2:
0x4dd: {  	(tag) =	ssettag $0x2  }
0x4de: {  	s0 =	rddreg [dreg:$0x0];
	s2 =	stileid.u32  }
0x4df: {  	s1 =	rddreg [dreg:$0x1];
	p0 =	sne.s32 s2, $0x0  }
0x4e0: {  	s3 =	rddreg [dreg:$0x2];
	[bflag:$0x3] =	sbarrier.arrive $0xFFFF;
	s2 =	simm.s32 @!p0 $0x1C03  }
0x4e1: {  	[timem:s3], [sflag:s2] =	dma.local @!p0 [hbm:s0], s1  }
0x4e2: {  	s0 =	simm.s32 @!p0 $0x3  }
0x4e3: {  	_ =	swait.ge @!p0 [sflag:s0], s1  }
0x4e4: {  	s1 =	ssub.s32 @!p0 $0x0, s1;
	[sflag:s0] =	ssyncset.done @!p0 $0x0  }
0x4e5: {  	[sflag:s0] =	ssyncadd.s32 @!p0 s1  }
0x4e6: {  	[bflag:$0x3] =	sbarrier.arrive $0xFFFF  }
0x4e7: {  	_ =	shalt  }

</sc_bundles>
